<compile_context>
chip_gen: v7x
topology: tpu7x:2x2x1
jax: 0.10.2.dev20260603
libtpu: 0.0.44.dev20260713+nightly
codegen_flags: <defaults>
</compile_context>

<pallas_src>
import functools

import numpy as np
import jax
import jax.numpy as jnp
from jax import lax
from jax.experimental import pallas as pl
from jax.experimental.pallas import tpu as pltpu
from jax.experimental.pallas import tpu_sc as plsc

_FEAT_STRIDE = 16
_SCALES = np.array([8.0, 16.0, 32.0])
_RATIOS = np.array([0.5, 1.0, 2.0])
_PRE_NMS = 6000
_POST_NMS = 300
_NMS_THRESH = 0.7
_A = 9
_INT_MIN = np.int32(-(2 ** 31))
_NC = 6144
_TRASH = 6100
_NQ = 4


def _whctrs(a):
    w = a[2] - a[0] + 1.0
    h = a[3] - a[1] + 1.0
    xc = a[0] + 0.5 * (w - 1.0)
    yc = a[1] + 0.5 * (h - 1.0)
    return w, h, xc, yc


def _mkanchors(ws, hs, xc, yc):
    ws = ws[:, None]
    hs = hs[:, None]
    return np.hstack([xc - 0.5 * (ws - 1.0), yc - 0.5 * (hs - 1.0),
                      xc + 0.5 * (ws - 1.0), yc + 0.5 * (hs - 1.0)])


def _ratio_enum(a, ratios):
    w, h, xc, yc = _whctrs(a)
    size = w * h
    size_ratios = size / ratios
    ws = np.round(np.sqrt(size_ratios))
    hs = np.round(ws * ratios)
    return _mkanchors(ws, hs, xc, yc)


def _scale_enum(a, scales):
    w, h, xc, yc = _whctrs(a)
    ws = w * scales
    hs = h * scales
    return _mkanchors(ws, hs, xc, yc)


def _gen_anchors(base_size=16):
    base = np.array([0.0, 0.0, base_size - 1.0, base_size - 1.0])
    ra = _ratio_enum(base, _RATIOS)
    return np.vstack([_scale_enum(ra[i, :], _SCALES) for i in range(ra.shape[0])])


def _anchor_geom_amajor(fh, fw, npad):
    anc = _gen_anchors().astype(np.float32)
    sx = np.arange(fw, dtype=np.float32) * np.float32(_FEAT_STRIDE)
    sy = np.arange(fh, dtype=np.float32) * np.float32(_FEAT_STRIDE)
    SX, SY = np.meshgrid(sx, sy)
    shifts = np.stack([SX.ravel(), SY.ravel(), SX.ravel(), SY.ravel()], axis=1).astype(np.float32)
    a4 = (anc[:, None, :] + shifts[None, :, :]).reshape(_A * fh * fw, 4)
    w = (a4[:, 2] - a4[:, 0]) + np.float32(1.0)
    h = (a4[:, 3] - a4[:, 1]) + np.float32(1.0)
    cx = a4[:, 0] + np.float32(0.5) * w
    cy = a4[:, 1] + np.float32(0.5) * h
    hw = fh * fw
    ridx = (np.arange(_A * hw, dtype=np.int64) % hw) * _A + (np.arange(_A * hw, dtype=np.int64) // hw)
    ridx = ridx.astype(np.int32)
    n = _A * hw

    def pad(v, c):
        return np.concatenate([v, np.full((npad - n,), c, v.dtype)])

    return (pad(w, 1.0), pad(h, 1.0), pad(cx, 0.0), pad(cy, 0.0),
            pad(ridx, np.int32(10 ** 8)))


def _stage_a(dx_r, dy_r, dw_r, dh_r, sc_r, aw_r, ah_r, acx_r, acy_r, ridx_r,
             imi_r, p_o, gsx_o):
    nb, n = sc_r.shape
    widths = aw_r[...]
    heights = ah_r[...]
    pcx = dx_r[...] * widths + acx_r[...]
    pcy = dy_r[...] * heights + acy_r[...]
    pw = jnp.exp(dw_r[...]) * widths
    ph = jnp.exp(dh_r[...]) * heights
    x1 = pcx - 0.5 * pw
    y1 = pcy - 0.5 * ph
    x2 = pcx + 0.5 * pw
    y2 = pcy + 0.5 * ph
    im_h = imi_r[:, 0:1]
    im_w = imi_r[:, 1:2]
    x1 = jnp.clip(x1, 0.0, im_w - 1.0)
    x2 = jnp.clip(x2, 0.0, im_w - 1.0)
    y1 = jnp.clip(y1, 0.0, im_h - 1.0)
    y2 = jnp.clip(y2, 0.0, im_h - 1.0)
    p_o[0] = x1
    p_o[1] = y1
    p_o[2] = x2
    p_o[3] = y2
    p_o[4] = ((x2 - x1) + 1.0) * ((y2 - y1) + 1.0)

    sc = sc_r[...]
    bits = lax.bitcast_convert_type(sc, jnp.int32)
    key = jnp.where(bits >= 0, bits, _INT_MIN - bits)

    def bs_body(t, T):
        cand = T + (jnp.int32(1) << (jnp.int32(31) - t))
        cnt = jnp.sum((key >= cand).astype(jnp.int32), axis=1, keepdims=True)
        return jnp.where(cnt >= _PRE_NMS, cand, T)

    T = lax.fori_loop(0, 32, bs_body, jnp.full((nb, 1), _INT_MIN, jnp.int32))
    c_gt = jnp.sum((key > T).astype(jnp.int32), axis=1, keepdims=True)
    m = _PRE_NMS - c_gt
    ridx = ridx_r[...]
    tie = key == T

    def is_body(t, I):
        cand = I + (jnp.int32(1) << (jnp.int32(16) - t))
        f = jnp.sum((tie & (ridx < cand)).astype(jnp.int32), axis=1, keepdims=True)
        return jnp.where(f < m, cand, I)

    I = lax.fori_loop(0, 17, is_body, jnp.zeros((nb, 1), jnp.int32))
    part = (key > T) | (tie & (ridx <= I))
    p_o[5] = jnp.where(part, sc, jnp.float32(-jnp.inf))
    ridxf = lax.bitcast_convert_type(jnp.broadcast_to(ridx, (nb, n)), jnp.float32)
    p_o[6] = ridxf
    p_o[7] = ridxf

    p32 = part.astype(jnp.int32)
    s = p32
    sh = 1
    while sh < n:
        s = s + jnp.concatenate([jnp.zeros((nb, sh), jnp.int32), s[:, :n - sh]], axis=1)
        sh *= 2
    rank = s - p32
    gsx_o[...] = jnp.where(part, rank, jnp.int32(_TRASH))


def _sc_compact_body(p_h, gsx_h, out_h, a_v, b_v, gsx_v, outa_v, outb_v):
    wid = lax.axis_index("s") * 2 + lax.axis_index("c")
    b = wid // _NQ
    q = wid % _NQ
    p0 = q * 2
    p1 = p0 + 1
    pltpu.sync_copy(p_h.at[p0, b], a_v)
    pltpu.sync_copy(p_h.at[p1, b], b_v)
    pltpu.sync_copy(gsx_h.at[b], gsx_v)
    n = gsx_v.shape[0]

    def body(j, c):
        sl = pl.ds(j * 16, 16)
        idx = gsx_v[sl]
        plsc.store_scatter(outa_v, [idx], a_v[sl])
        plsc.store_scatter(outb_v, [idx], b_v[sl])
        return c

    lax.fori_loop(0, n // 16, body, 0)
    pltpu.sync_copy(outa_v, out_h.at[p0, b])
    pltpu.sync_copy(outb_v, out_h.at[p1, b])


def _stage_b(p_r, out_r, ws_r, ridx_r):
    _, nb, n = p_r.shape
    x1_v = p_r[0]
    y1_v = p_r[1]
    x2_v = p_r[2]
    y2_v = p_r[3]
    ar_v = p_r[4]
    pos = lax.broadcasted_iota(jnp.int32, (nb, n), 1)
    valid = pos < _PRE_NMS
    ninf = jnp.float32(-jnp.inf)
    ws_r[...] = jnp.where(valid, p_r[5], ninf)
    ridx_r[...] = jnp.where(valid, lax.bitcast_convert_type(p_r[6], jnp.int32),
                            jnp.int32(10 ** 9))
    lane = lax.broadcasted_iota(jnp.int32, (nb, 128), 1)
    z = jnp.zeros((nb, 1), jnp.float32)

    def step(i, fb):
        f1, f2, f3, f4 = fb
        ws = ws_r[...]
        ridx = ridx_r[...]
        mx = jnp.max(ws, axis=1, keepdims=True)
        selc = jnp.where(ws == mx, ridx, jnp.int32(10 ** 9))
        sel = jnp.min(selc, axis=1, keepdims=True)
        oh = ridx == sel
        bx1 = jnp.sum(jnp.where(oh, x1_v, 0.0), axis=1, keepdims=True)
        by1 = jnp.sum(jnp.where(oh, y1_v, 0.0), axis=1, keepdims=True)
        bx2 = jnp.sum(jnp.where(oh, x2_v, 0.0), axis=1, keepdims=True)
        by2 = jnp.sum(jnp.where(oh, y2_v, 0.0), axis=1, keepdims=True)
        bar = ((bx2 - bx1) + 1.0) * ((by2 - by1) + 1.0)
        alive = mx > ninf
        ox1 = jnp.where(alive, bx1, f1)
        oy1 = jnp.where(alive, by1, f2)
        ox2 = jnp.where(alive, bx2, f3)
        oy2 = jnp.where(alive, by2, f4)
        isz = i == 0
        f1 = jnp.where(isz, bx1, f1)
        f2 = jnp.where(isz, by1, f2)
        f3 = jnp.where(isz, bx2, f3)
        f4 = jnp.where(isz, by2, f4)
        xx1 = jnp.maximum(bx1, x1_v)
        yy1 = jnp.maximum(by1, y1_v)
        xx2 = jnp.minimum(bx2, x2_v)
        yy2 = jnp.minimum(by2, y2_v)
        w = jnp.maximum(0.0, (xx2 - xx1) + 1.0)
        h = jnp.maximum(0.0, (yy2 - yy1) + 1.0)
        inter = w * h
        iou = inter / ((bar + ar_v) - inter)
        ws_r[...] = jnp.where(iou > _NMS_THRESH, ninf, ws)
        tile = jnp.where(lane == 0, ox1,
                         jnp.where(lane == 1, oy1,
                                   jnp.where(lane == 2, ox2,
                                             jnp.where(lane == 3, oy2, 0.0))))
        out_r[i] = tile
        return (f1, f2, f3, f4)

    lax.fori_loop(0, _POST_NMS, step, (z, z, z, z))


def _compact(batch, npad, planes, gsx):
    f32 = jnp.float32
    mesh = plsc.VectorSubcoreMesh(core_axis_name="c", subcore_axis_name="s")
    sc_fn = functools.partial(
        pl.kernel,
        mesh=mesh,
        compiler_params=pltpu.CompilerParams(needs_layout_passes=False),
        out_type=jax.ShapeDtypeStruct((2 * _NQ, batch, _NC), f32),
        scratch_types=[pltpu.VMEM((npad,), f32), pltpu.VMEM((npad,), f32),
                       pltpu.VMEM((npad,), jnp.int32),
                       pltpu.VMEM((_NC,), f32), pltpu.VMEM((_NC,), f32)],
    )(_sc_compact_body)
    return sc_fn(planes, gsx)


def kernel(scores, bbox_deltas, im_info, cfg_key):
    batch = scores.shape[0]
    fh, fw = scores.shape[2], scores.shape[3]
    n = _A * fh * fw
    npad = ((n + 127) // 128) * 128
    padn = npad - n

    sc = scores[:, _A:, :, :].reshape(batch, n)
    dx = bbox_deltas[:, 0::4, :, :].reshape(batch, n)
    dy = bbox_deltas[:, 1::4, :, :].reshape(batch, n)
    dw = bbox_deltas[:, 2::4, :, :].reshape(batch, n)
    dh = bbox_deltas[:, 3::4, :, :].reshape(batch, n)
    sc = jnp.pad(sc, ((0, 0), (0, padn)), constant_values=-jnp.inf)
    dx, dy, dw, dh = (jnp.pad(v, ((0, 0), (0, padn))) for v in (dx, dy, dw, dh))
    aw, ah, acx, acy, ridx = _anchor_geom_amajor(fh, fw, npad)
    aw, ah, acx, acy, ridx = (jnp.asarray(v)[None, :] for v in (aw, ah, acx, acy, ridx))
    imi = jnp.pad(im_info, ((0, 0), (0, 126)))

    f32 = jnp.float32
    planes, gsx = pl.pallas_call(
        _stage_a,
        out_shape=[jax.ShapeDtypeStruct((2 * _NQ, batch, npad), f32),
                   jax.ShapeDtypeStruct((batch, npad), jnp.int32)],
    )(dx, dy, dw, dh, sc, aw, ah, acx, acy, ridx, imi)

    cplanes = _compact(batch, npad, planes, gsx)

    out = pl.pallas_call(
        _stage_b,
        out_shape=jax.ShapeDtypeStruct((_POST_NMS, batch, 128), f32),
        scratch_shapes=[pltpu.VMEM((batch, _NC), f32),
                        pltpu.VMEM((batch, _NC), jnp.int32)],
    )(cplanes)

    kept = out[:, :, 0:4].transpose(1, 0, 2)
    batch_ids = jnp.broadcast_to(
        jnp.arange(batch, dtype=jnp.float32)[:, None, None], (batch, _POST_NMS, 1))
    return jnp.concatenate([batch_ids, kept], axis=2)

# --- scband reference (transcript-rebuilt; emitter-appended) ---
"""Pipeline reference for scband-proposal-layer-25477745999923 (READ-ONLY COPY).

The authoritative reference and input builder live on the scoring server;
editing this copy changes nothing except your own understanding.
"""

import jax, jax.numpy as jnp
import numpy as np
from jax import lax

FEAT_STRIDE = 16
SCALES = np.array([8.0, 16.0, 32.0])
RATIOS = np.array([0.5, 1.0, 2.0])
PRE_NMS_TOP_N = 6000
POST_NMS_TOP_N = 300
NMS_THRESH = 0.7
B, H, W = 8, 50, 76
A = 9


def _whctrs(a):
    w = a[2] - a[0] + 1.0
    h = a[3] - a[1] + 1.0
    xc = a[0] + 0.5 * (w - 1.0)
    yc = a[1] + 0.5 * (h - 1.0)
    return w, h, xc, yc


def _mkanchors(ws, hs, xc, yc):
    ws = ws[:, None]
    hs = hs[:, None]
    return np.hstack([xc - 0.5 * (ws - 1.0), yc - 0.5 * (hs - 1.0), xc + 0.5 * (ws - 1.0), yc + 0.5 * (hs - 1.0)])


def _ratio_enum(a, ratios):
    w, h, xc, yc = _whctrs(a)
    size = w * h
    size_ratios = size / ratios
    ws = np.round(np.sqrt(size_ratios))
    hs = np.round(ws * ratios)
    return _mkanchors(ws, hs, xc, yc)


def _scale_enum(a, scales):
    w, h, xc, yc = _whctrs(a)
    ws = w * scales
    hs = h * scales
    return _mkanchors(ws, hs, xc, yc)


def generate_anchors(base_size=16, ratios=RATIOS, scales=SCALES):
    base_anchor = np.array([0.0, 0.0, base_size - 1.0, base_size - 1.0])
    ratio_anchors = _ratio_enum(base_anchor, ratios)
    return np.vstack([_scale_enum(ratio_anchors[i, :], scales) for i in range(ratio_anchors.shape[0])])


ANCHORS = jnp.asarray(generate_anchors(), dtype=jnp.float32)


def setup_inputs(seed: int = 0) -> dict:
    key = jax.random.key(seed)
    k1, k2 = jax.random.split(key)
    scores = jax.random.normal(k1, (B, 2 * A, H, W), dtype=jnp.float32)
    bbox_deltas = jax.random.normal(k2, (B, 4 * A, H, W), dtype=jnp.float32)
    im_info = jnp.ones((B, 2), dtype=jnp.float32) * jnp.array([H * FEAT_STRIDE, W * FEAT_STRIDE], dtype=jnp.float32)
    return {"scores": scores, "bbox_deltas": bbox_deltas, "im_info": im_info, "cfg_key": 0}


def _forward(scores, bbox_deltas, im_info):
    batch = scores.shape[0]
    fh, fw = scores.shape[2], scores.shape[3]
    shift_x = jnp.arange(fw, dtype=jnp.float32) * FEAT_STRIDE
    shift_y = jnp.arange(fh, dtype=jnp.float32) * FEAT_STRIDE
    sx, sy = jnp.meshgrid(shift_x, shift_y)
    shifts = jnp.stack([sx.ravel(), sy.ravel(), sx.ravel(), sy.ravel()], axis=1)
    anchors = (ANCHORS[None, :, :] + shifts[:, None, :]).reshape(1, -1, 4)
    anchors = jnp.broadcast_to(anchors, (batch, anchors.shape[1], 4))
    sc = scores[:, A:, :, :].transpose(0, 2, 3, 1).reshape(batch, -1)
    deltas = bbox_deltas.transpose(0, 2, 3, 1).reshape(batch, -1, 4)
    widths = anchors[..., 2] - anchors[..., 0] + 1.0
    heights = anchors[..., 3] - anchors[..., 1] + 1.0
    ctr_x = anchors[..., 0] + 0.5 * widths
    ctr_y = anchors[..., 1] + 0.5 * heights
    dx, dy, dw, dh = deltas[..., 0], deltas[..., 1], deltas[..., 2], deltas[..., 3]
    pcx = dx * widths + ctr_x
    pcy = dy * heights + ctr_y
    pw = jnp.exp(dw) * widths
    ph = jnp.exp(dh) * heights
    x1 = pcx - 0.5 * pw
    y1 = pcy - 0.5 * ph
    x2 = pcx + 0.5 * pw
    y2 = pcy + 0.5 * ph
    x1 = jnp.clip(x1, 0.0, im_info[:, 1:2] - 1.0)
    x2 = jnp.clip(x2, 0.0, im_info[:, 1:2] - 1.0)
    y1 = jnp.clip(y1, 0.0, im_info[:, 0:1] - 1.0)
    y2 = jnp.clip(y2, 0.0, im_info[:, 0:1] - 1.0)
    proposals = jnp.stack([x1, y1, x2, y2], axis=-1)

    def nms_single(props, s):
        top_s, order = lax.top_k(s, PRE_NMS_TOP_N)
        p = props[order]
        bx1, by1, bx2, by2 = p[:, 0], p[:, 1], p[:, 2], p[:, 3]
        areas = (bx2 - bx1 + 1.0) * (by2 - by1 + 1.0)

        def body(scw, _):
            i = jnp.argmax(scw)
            xx1 = jnp.maximum(bx1[i], bx1)
            yy1 = jnp.maximum(by1[i], by1)
            xx2 = jnp.minimum(bx2[i], bx2)
            yy2 = jnp.minimum(by2[i], by2)
            w = jnp.maximum(0.0, xx2 - xx1 + 1.0)
            h = jnp.maximum(0.0, yy2 - yy1 + 1.0)
            inter = w * h
            iou = inter / (areas[i] + areas - inter)
            scw = jnp.where(iou > NMS_THRESH, -jnp.inf, scw)
            scw = scw.at[i].set(-jnp.inf)
            return scw, i

        _, keep = lax.scan(body, top_s, None, length=POST_NMS_TOP_N)
        return p[keep]

    kept = jax.vmap(nms_single)(proposals, sc)
    batch_ids = jnp.broadcast_to(jnp.arange(batch, dtype=jnp.float32)[:, None, None], (batch, POST_NMS_TOP_N, 1))
    return jnp.concatenate([batch_ids, kept], axis=2)


def reference(scores, bbox_deltas, im_info, cfg_key=0):
    return _forward(scores, bbox_deltas, im_info)

if __name__ == "__main__":
    import jax
    _d = setup_inputs()
    print(jax.jit(kernel)(*tuple(_d.values())))

</pallas_src>

<mosaic_0001>
#map = affine_map<(d0, d1) -> (0, 0, 0)>
#map1 = affine_map<(d0, d1) -> (0, 0)>
module attributes {stable_mosaic.version = 14 : i64} {
  func.func @_sc_compact_body(%arg0: i32, %arg1: i32, %arg2: memref<8x8x34304xf32, #tpu.memory_space<hbm>>, %arg3: memref<8x34304xi32, #tpu.memory_space<hbm>>, %arg4: memref<8x8x6144xf32, #tpu.memory_space<hbm>>, %arg5: memref<34304xf32, #tpu.memory_space<vmem>>, %arg6: memref<34304xf32, #tpu.memory_space<vmem>>, %arg7: memref<34304xi32, #tpu.memory_space<vmem>>, %arg8: memref<6144xf32, #tpu.memory_space<vmem>>, %arg9: memref<6144xf32, #tpu.memory_space<vmem>>) attributes {dimension_semantics = [#tpu.dimension_semantics<core_parallel>, #tpu.dimension_semantics<subcore_parallel>], iteration_bounds = array<i64: 2, 16>, scalar_prefetch = 0 : i64, scratch_operands = 5 : i64, tpu.core_type = #tpu.core_type<sc_vector_subcore>, window_params = [{transform_indices = #map}, {transform_indices = #map1}, {transform_indices = #map}]} {
    %mul3A = arith.constant 2 : i32
    %mul3A_0 = arith.muli %arg1, %mul3A : i32
    %add3A = arith.addi %mul3A_0, %arg0 : i32
    %jit3A = arith.constant 4 : i32
    %div3A = arith.divsi %add3A, %jit3A : i32
    %sign3A = arith.constant 0 : i32
    %sign3A_1 = arith.cmpi sgt, %add3A, %sign3A : i32
    %sign3A_2 = arith.extui %sign3A_1 : i1 to i32
    %sign3A_3 = arith.constant 0 : i32
    %sign3A_4 = arith.cmpi slt, %add3A, %sign3A_3 : i32
    %sign3A_5 = arith.extui %sign3A_4 : i1 to i32
    %sign3A_6 = arith.subi %sign3A_2, %sign3A_5 : i32
    %sign3A_7 = arith.constant 0 : i32
    %sign3A_8 = arith.cmpi sgt, %jit3A, %sign3A_7 : i32
    %sign3A_9 = arith.extui %sign3A_8 : i1 to i32
    %sign3A_10 = arith.constant 0 : i32
    %sign3A_11 = arith.cmpi slt, %jit3A, %sign3A_10 : i32
    %sign3A_12 = arith.extui %sign3A_11 : i1 to i32
    %sign3A_13 = arith.subi %sign3A_9, %sign3A_12 : i32
    %ne3A = arith.cmpi ne, %sign3A_6, %sign3A_13 : i32
    %rem3A = arith.remsi %add3A, %jit3A : i32
    %ne3A_14 = arith.constant 0 : i32
    %ne3A_15 = arith.cmpi ne, %rem3A, %ne3A_14 : i32
    %and3A = arith.andi %ne3A, %ne3A_15 : i1
    %sub3A = arith.constant 1 : i32
    %sub3A_16 = arith.subi %div3A, %sub3A : i32
    %select_n3A = arith.select %and3A, %sub3A_16, %div3A : i32
    %jit3A_17 = arith.constant 4 : i32
    %eq3A = arith.constant 0 : i32
    %eq3A_18 = arith.cmpi eq, %jit3A_17, %eq3A : i32
    %jit3A_19 = arith.constant 1 : i32
    %select_n3A_20 = arith.select %eq3A_18, %jit3A_19, %jit3A_17 : i32
    %rem3A_21 = arith.remsi %add3A, %select_n3A_20 : i32
    %ne3A_22 = arith.constant 0 : i32
    %ne3A_23 = arith.cmpi ne, %rem3A_21, %ne3A_22 : i32
    %lt3A = arith.constant 0 : i32
    %lt3A_24 = arith.cmpi slt, %rem3A_21, %lt3A : i32
    %lt3A_25 = arith.constant 0 : i32
    %lt3A_26 = arith.cmpi slt, %select_n3A_20, %lt3A_25 : i32
    %ne3A_27 = arith.xori %lt3A_24, %lt3A_26 : i1
    %and3A_28 = arith.andi %ne3A_27, %ne3A_23 : i1
    %add3A_29 = arith.addi %rem3A_21, %select_n3A_20 : i32
    %select_n3A_30 = arith.select %and3A_28, %add3A_29, %rem3A_21 : i32
    %mul3A_31 = arith.constant 2 : i32
    %mul3A_32 = arith.muli %select_n3A_30, %mul3A_31 : i32
    %add3A_33 = arith.constant 1 : i32
    %add3A_34 = arith.addi %mul3A_32, %add3A_33 : i32
    "tpu.region"() ({
      %run_scoped3A = tpu.sem_alloc : memref<!tpu.dma_semaphore, #tpu.memory_space<semaphore_mem>>
      %dma_start3A = arith.constant 0 : i32
      %dma_start3A_40 = tpu.memref_slice %arg2[%mul3A_32, %select_n3A, %dma_start3A] : memref<8x8x34304xf32, #tpu.memory_space<hbm>> -> memref<1x1x34304xf32, #tpu.memory_space<hbm>>
      %dma_start3A_41 = tpu.memref_squeeze %dma_start3A_40 : memref<1x1x34304xf32, #tpu.memory_space<hbm>> -> memref<34304xf32, #tpu.memory_space<hbm>>
      %dma_start3A_42 = arith.constant 0 : i32
      %dma_start3A_43 = tpu.memref_slice %arg2[%mul3A_32, %select_n3A, %dma_start3A_42] : memref<8x8x34304xf32, #tpu.memory_space<hbm>> -> memref<1x1x34304xf32, #tpu.memory_space<hbm>>
      %dma_start3A_44 = tpu.memref_squeeze %dma_start3A_43 : memref<1x1x34304xf32, #tpu.memory_space<hbm>> -> memref<34304xf32, #tpu.memory_space<hbm>>
      tpu.enqueue_dma source(%dma_start3A_44 : memref<34304xf32, #tpu.memory_space<hbm>>) target(%arg5 : memref<34304xf32, #tpu.memory_space<vmem>>) target_semaphore(%run_scoped3A : memref<!tpu.dma_semaphore, #tpu.memory_space<semaphore_mem>>)
      %dma_wait3A = arith.constant 0 : i32
      %dma_wait3A_45 = tpu.memref_slice %arg2[%mul3A_32, %select_n3A, %dma_wait3A] : memref<8x8x34304xf32, #tpu.memory_space<hbm>> -> memref<1x1x34304xf32, #tpu.memory_space<hbm>>
      %dma_wait3A_46 = tpu.memref_squeeze %dma_wait3A_45 : memref<1x1x34304xf32, #tpu.memory_space<hbm>> -> memref<34304xf32, #tpu.memory_space<hbm>>
      %dma_wait3A_47 = arith.constant 0 : i32
      %dma_wait3A_48 = tpu.memref_slice %arg2[%mul3A_32, %select_n3A, %dma_wait3A_47] : memref<8x8x34304xf32, #tpu.memory_space<hbm>> -> memref<1x1x34304xf32, #tpu.memory_space<hbm>>
      %dma_wait3A_49 = tpu.memref_squeeze %dma_wait3A_48 : memref<1x1x34304xf32, #tpu.memory_space<hbm>> -> memref<34304xf32, #tpu.memory_space<hbm>>
      tpu.wait_dma2 semaphore(%run_scoped3A : memref<!tpu.dma_semaphore, #tpu.memory_space<semaphore_mem>>) src(%dma_wait3A_49 : memref<34304xf32, #tpu.memory_space<hbm>>) dst(%arg5 : memref<34304xf32, #tpu.memory_space<vmem>>)
      tpu.yield
    }) : () -> ()
    "tpu.region"() ({
      %run_scoped3A = tpu.sem_alloc : memref<!tpu.dma_semaphore, #tpu.memory_space<semaphore_mem>>
      %dma_start3A = arith.constant 0 : i32
      %dma_start3A_40 = tpu.memref_slice %arg2[%add3A_34, %select_n3A, %dma_start3A] : memref<8x8x34304xf32, #tpu.memory_space<hbm>> -> memref<1x1x34304xf32, #tpu.memory_space<hbm>>
      %dma_start3A_41 = tpu.memref_squeeze %dma_start3A_40 : memref<1x1x34304xf32, #tpu.memory_space<hbm>> -> memref<34304xf32, #tpu.memory_space<hbm>>
      %dma_start3A_42 = arith.constant 0 : i32
      %dma_start3A_43 = tpu.memref_slice %arg2[%add3A_34, %select_n3A, %dma_start3A_42] : memref<8x8x34304xf32, #tpu.memory_space<hbm>> -> memref<1x1x34304xf32, #tpu.memory_space<hbm>>
      %dma_start3A_44 = tpu.memref_squeeze %dma_start3A_43 : memref<1x1x34304xf32, #tpu.memory_space<hbm>> -> memref<34304xf32, #tpu.memory_space<hbm>>
      tpu.enqueue_dma source(%dma_start3A_44 : memref<34304xf32, #tpu.memory_space<hbm>>) target(%arg6 : memref<34304xf32, #tpu.memory_space<vmem>>) target_semaphore(%run_scoped3A : memref<!tpu.dma_semaphore, #tpu.memory_space<semaphore_mem>>)
      %dma_wait3A = arith.constant 0 : i32
      %dma_wait3A_45 = tpu.memref_slice %arg2[%add3A_34, %select_n3A, %dma_wait3A] : memref<8x8x34304xf32, #tpu.memory_space<hbm>> -> memref<1x1x34304xf32, #tpu.memory_space<hbm>>
      %dma_wait3A_46 = tpu.memref_squeeze %dma_wait3A_45 : memref<1x1x34304xf32, #tpu.memory_space<hbm>> -> memref<34304xf32, #tpu.memory_space<hbm>>
      %dma_wait3A_47 = arith.constant 0 : i32
      %dma_wait3A_48 = tpu.memref_slice %arg2[%add3A_34, %select_n3A, %dma_wait3A_47] : memref<8x8x34304xf32, #tpu.memory_space<hbm>> -> memref<1x1x34304xf32, #tpu.memory_space<hbm>>
      %dma_wait3A_49 = tpu.memref_squeeze %dma_wait3A_48 : memref<1x1x34304xf32, #tpu.memory_space<hbm>> -> memref<34304xf32, #tpu.memory_space<hbm>>
      tpu.wait_dma2 semaphore(%run_scoped3A : memref<!tpu.dma_semaphore, #tpu.memory_space<semaphore_mem>>) src(%dma_wait3A_49 : memref<34304xf32, #tpu.memory_space<hbm>>) dst(%arg6 : memref<34304xf32, #tpu.memory_space<vmem>>)
      tpu.yield
    }) : () -> ()
    "tpu.region"() ({
      %run_scoped3A = tpu.sem_alloc : memref<!tpu.dma_semaphore, #tpu.memory_space<semaphore_mem>>
      %dma_start3A = arith.constant 0 : i32
      %dma_start3A_40 = tpu.memref_slice %arg3[%select_n3A, %dma_start3A] : memref<8x34304xi32, #tpu.memory_space<hbm>> -> memref<1x34304xi32, #tpu.memory_space<hbm>>
      %dma_start3A_41 = tpu.memref_squeeze %dma_start3A_40 : memref<1x34304xi32, #tpu.memory_space<hbm>> -> memref<34304xi32, #tpu.memory_space<hbm>>
      %dma_start3A_42 = arith.constant 0 : i32
      %dma_start3A_43 = tpu.memref_slice %arg3[%select_n3A, %dma_start3A_42] : memref<8x34304xi32, #tpu.memory_space<hbm>> -> memref<1x34304xi32, #tpu.memory_space<hbm>>
      %dma_start3A_44 = tpu.memref_squeeze %dma_start3A_43 : memref<1x34304xi32, #tpu.memory_space<hbm>> -> memref<34304xi32, #tpu.memory_space<hbm>>
      tpu.enqueue_dma source(%dma_start3A_44 : memref<34304xi32, #tpu.memory_space<hbm>>) target(%arg7 : memref<34304xi32, #tpu.memory_space<vmem>>) target_semaphore(%run_scoped3A : memref<!tpu.dma_semaphore, #tpu.memory_space<semaphore_mem>>)
      %dma_wait3A = arith.constant 0 : i32
      %dma_wait3A_45 = tpu.memref_slice %arg3[%select_n3A, %dma_wait3A] : memref<8x34304xi32, #tpu.memory_space<hbm>> -> memref<1x34304xi32, #tpu.memory_space<hbm>>
      %dma_wait3A_46 = tpu.memref_squeeze %dma_wait3A_45 : memref<1x34304xi32, #tpu.memory_space<hbm>> -> memref<34304xi32, #tpu.memory_space<hbm>>
      %dma_wait3A_47 = arith.constant 0 : i32
      %dma_wait3A_48 = tpu.memref_slice %arg3[%select_n3A, %dma_wait3A_47] : memref<8x34304xi32, #tpu.memory_space<hbm>> -> memref<1x34304xi32, #tpu.memory_space<hbm>>
      %dma_wait3A_49 = tpu.memref_squeeze %dma_wait3A_48 : memref<1x34304xi32, #tpu.memory_space<hbm>> -> memref<34304xi32, #tpu.memory_space<hbm>>
      tpu.wait_dma2 semaphore(%run_scoped3A : memref<!tpu.dma_semaphore, #tpu.memory_space<semaphore_mem>>) src(%dma_wait3A_49 : memref<34304xi32, #tpu.memory_space<hbm>>) dst(%arg7 : memref<34304xi32, #tpu.memory_space<vmem>>)
      tpu.yield
    }) : () -> ()
    %scan3A = arith.constant 0 : i32
    %scan3A_35 = arith.constant 0 : i32
    %scan3A_36 = arith.constant 2144 : i32
    %scan3A_37 = arith.addi %scan3A_35, %scan3A_36 : i32
    %scan3A_38 = arith.constant 1 : i32
    scf.for %scan3A_40 = %scan3A_35 to %scan3A_37 step %scan3A_38  : i32 {
      %mul3A_41 = arith.constant 16 : i32
      %mul3A_42 = arith.muli %scan3A_40, %mul3A_41 : i32
      %get3A = arith.index_cast %mul3A_42 : i32 to index
      %get3A_43 = tpu.vector_load %arg7[%get3A] {strides = array<i32>} : memref<34304xi32, #tpu.memory_space<vmem>>, vector<16xi32>,
      %get3A_44 = arith.index_cast %mul3A_42 : i32 to index
      %get3A_45 = tpu.vector_load %arg5[%get3A_44] {strides = array<i32>} : memref<34304xf32, #tpu.memory_space<vmem>>, vector<16xf32>,
      tpu.vector_store_idx %arg8[%get3A_43], %get3A_45 : memref<6144xf32, #tpu.memory_space<vmem>>[vector<16xi32>], vector<16xf32>,
      %get3A_46 = arith.index_cast %mul3A_42 : i32 to index
      %get3A_47 = tpu.vector_load %arg6[%get3A_46] {strides = array<i32>} : memref<34304xf32, #tpu.memory_space<vmem>>, vector<16xf32>,
      tpu.vector_store_idx %arg9[%get3A_43], %get3A_47 : memref<6144xf32, #tpu.memory_space<vmem>>[vector<16xi32>], vector<16xf32>,
    }
    %scan3A_39 = arith.constant 2144 : i32
    "tpu.region"() ({
      %run_scoped3A = tpu.sem_alloc : memref<!tpu.dma_semaphore, #tpu.memory_space<semaphore_mem>>
      %dma_start3A = arith.constant 0 : i32
      %dma_start3A_40 = tpu.memref_slice %arg4[%mul3A_32, %select_n3A, %dma_start3A] : memref<8x8x6144xf32, #tpu.memory_space<hbm>> -> memref<1x1x6144xf32, #tpu.memory_space<hbm>>
      %dma_start3A_41 = tpu.memref_squeeze %dma_start3A_40 : memref<1x1x6144xf32, #tpu.memory_space<hbm>> -> memref<6144xf32, #tpu.memory_space<hbm>>
      %dma_start3A_42 = arith.constant 0 : i32
      %dma_start3A_43 = tpu.memref_slice %arg4[%mul3A_32, %select_n3A, %dma_start3A_42] : memref<8x8x6144xf32, #tpu.memory_space<hbm>> -> memref<1x1x6144xf32, #tpu.memory_space<hbm>>
      %dma_start3A_44 = tpu.memref_squeeze %dma_start3A_43 : memref<1x1x6144xf32, #tpu.memory_space<hbm>> -> memref<6144xf32, #tpu.memory_space<hbm>>
      tpu.enqueue_dma source(%arg8 : memref<6144xf32, #tpu.memory_space<vmem>>) target(%dma_start3A_44 : memref<6144xf32, #tpu.memory_space<hbm>>) target_semaphore(%run_scoped3A : memref<!tpu.dma_semaphore, #tpu.memory_space<semaphore_mem>>)
      %dma_wait3A = arith.constant 0 : i32
      %dma_wait3A_45 = tpu.memref_slice %arg4[%mul3A_32, %select_n3A, %dma_wait3A] : memref<8x8x6144xf32, #tpu.memory_space<hbm>> -> memref<1x1x6144xf32, #tpu.memory_space<hbm>>
      %dma_wait3A_46 = tpu.memref_squeeze %dma_wait3A_45 : memref<1x1x6144xf32, #tpu.memory_space<hbm>> -> memref<6144xf32, #tpu.memory_space<hbm>>
      %dma_wait3A_47 = arith.constant 0 : i32
      %dma_wait3A_48 = tpu.memref_slice %arg4[%mul3A_32, %select_n3A, %dma_wait3A_47] : memref<8x8x6144xf32, #tpu.memory_space<hbm>> -> memref<1x1x6144xf32, #tpu.memory_space<hbm>>
      %dma_wait3A_49 = tpu.memref_squeeze %dma_wait3A_48 : memref<1x1x6144xf32, #tpu.memory_space<hbm>> -> memref<6144xf32, #tpu.memory_space<hbm>>
      tpu.wait_dma2 semaphore(%run_scoped3A : memref<!tpu.dma_semaphore, #tpu.memory_space<semaphore_mem>>) src(%arg8 : memref<6144xf32, #tpu.memory_space<vmem>>) dst(%dma_wait3A_49 : memref<6144xf32, #tpu.memory_space<hbm>>)
      tpu.yield
    }) : () -> ()
    "tpu.region"() ({
      %run_scoped3A = tpu.sem_alloc : memref<!tpu.dma_semaphore, #tpu.memory_space<semaphore_mem>>
      %dma_start3A = arith.constant 0 : i32
      %dma_start3A_40 = tpu.memref_slice %arg4[%add3A_34, %select_n3A, %dma_start3A] : memref<8x8x6144xf32, #tpu.memory_space<hbm>> -> memref<1x1x6144xf32, #tpu.memory_space<hbm>>
      %dma_start3A_41 = tpu.memref_squeeze %dma_start3A_40 : memref<1x1x6144xf32, #tpu.memory_space<hbm>> -> memref<6144xf32, #tpu.memory_space<hbm>>
      %dma_start3A_42 = arith.constant 0 : i32
      %dma_start3A_43 = tpu.memref_slice %arg4[%add3A_34, %select_n3A, %dma_start3A_42] : memref<8x8x6144xf32, #tpu.memory_space<hbm>> -> memref<1x1x6144xf32, #tpu.memory_space<hbm>>
      %dma_start3A_44 = tpu.memref_squeeze %dma_start3A_43 : memref<1x1x6144xf32, #tpu.memory_space<hbm>> -> memref<6144xf32, #tpu.memory_space<hbm>>
      tpu.enqueue_dma source(%arg9 : memref<6144xf32, #tpu.memory_space<vmem>>) target(%dma_start3A_44 : memref<6144xf32, #tpu.memory_space<hbm>>) target_semaphore(%run_scoped3A : memref<!tpu.dma_semaphore, #tpu.memory_space<semaphore_mem>>)
      %dma_wait3A = arith.constant 0 : i32
      %dma_wait3A_45 = tpu.memref_slice %arg4[%add3A_34, %select_n3A, %dma_wait3A] : memref<8x8x6144xf32, #tpu.memory_space<hbm>> -> memref<1x1x6144xf32, #tpu.memory_space<hbm>>
      %dma_wait3A_46 = tpu.memref_squeeze %dma_wait3A_45 : memref<1x1x6144xf32, #tpu.memory_space<hbm>> -> memref<6144xf32, #tpu.memory_space<hbm>>
      %dma_wait3A_47 = arith.constant 0 : i32
      %dma_wait3A_48 = tpu.memref_slice %arg4[%add3A_34, %select_n3A, %dma_wait3A_47] : memref<8x8x6144xf32, #tpu.memory_space<hbm>> -> memref<1x1x6144xf32, #tpu.memory_space<hbm>>
      %dma_wait3A_49 = tpu.memref_squeeze %dma_wait3A_48 : memref<1x1x6144xf32, #tpu.memory_space<hbm>> -> memref<6144xf32, #tpu.memory_space<hbm>>
      tpu.wait_dma2 semaphore(%run_scoped3A : memref<!tpu.dma_semaphore, #tpu.memory_space<semaphore_mem>>) src(%arg9 : memref<6144xf32, #tpu.memory_space<vmem>>) dst(%dma_wait3A_49 : memref<6144xf32, #tpu.memory_space<hbm>>)
      tpu.yield
    }) : () -> ()
    return
  }
}

module attributes {stable_mosaic.version = 14 : i64} {
  func.func @_stage_a(%arg0: memref<8x34304xf32, #tpu.memory_space<vmem>>, %arg1: memref<8x34304xf32, #tpu.memory_space<vmem>>, %arg2: memref<8x34304xf32, #tpu.memory_space<vmem>>, %arg3: memref<8x34304xf32, #tpu.memory_space<vmem>>, %arg4: memref<8x34304xf32, #tpu.memory_space<vmem>>, %arg5: memref<1x34304xf32, #tpu.memory_space<vmem>>, %arg6: memref<1x34304xf32, #tpu.memory_space<vmem>>, %arg7: memref<1x34304xf32, #tpu.memory_space<vmem>>, %arg8: memref<1x34304xf32, #tpu.memory_space<vmem>>, %arg9: memref<1x34304xi32, #tpu.memory_space<vmem>>, %arg10: memref<8x128xf32, #tpu.memory_space<vmem>>, %arg11: memref<8x8x34304xf32, #tpu.memory_space<vmem>>, %arg12: memref<8x34304xi32, #tpu.memory_space<vmem>>) attributes {dimension_semantics = [], scalar_prefetch = 0 : i64, scratch_operands = 0 : i64, tpu.core_type = #tpu.core_type<tc>} {
    %get3A = arith.constant 0 : index
    %get3A_0 = arith.constant 0 : index
    %get3A_1 = vector.load %arg5[%get3A, %get3A_0] : memref<1x34304xf32, #tpu.memory_space<vmem>>, vector<1x34304xf32>
    %get3A_2 = arith.constant 0 : index
    %get3A_3 = arith.constant 0 : index
    %get3A_4 = vector.load %arg6[%get3A_2, %get3A_3] : memref<1x34304xf32, #tpu.memory_space<vmem>>, vector<1x34304xf32>
    %get3A_5 = arith.constant 0 : index
    %get3A_6 = arith.constant 0 : index
    %get3A_7 = vector.load %arg0[%get3A_5, %get3A_6] : memref<8x34304xf32, #tpu.memory_space<vmem>>, vector<8x34304xf32>
    %mul3A = vector.broadcast %get3A_1 : vector<1x34304xf32> to vector<8x34304xf32>
    %mul3A_8 = arith.mulf %get3A_7, %mul3A : vector<8x34304xf32>
    %get3A_9 = arith.constant 0 : index
    %get3A_10 = arith.constant 0 : index
    %get3A_11 = vector.load %arg7[%get3A_9, %get3A_10] : memref<1x34304xf32, #tpu.memory_space<vmem>>, vector<1x34304xf32>
    %add3A = vector.broadcast %get3A_11 : vector<1x34304xf32> to vector<8x34304xf32>
    %add3A_12 = arith.addf %mul3A_8, %add3A : vector<8x34304xf32>
    %get3A_13 = arith.constant 0 : index
    %get3A_14 = arith.constant 0 : index
    %get3A_15 = vector.load %arg1[%get3A_13, %get3A_14] : memref<8x34304xf32, #tpu.memory_space<vmem>>, vector<8x34304xf32>
    %mul3A_16 = vector.broadcast %get3A_4 : vector<1x34304xf32> to vector<8x34304xf32>
    %mul3A_17 = arith.mulf %get3A_15, %mul3A_16 : vector<8x34304xf32>
    %get3A_18 = arith.constant 0 : index
    %get3A_19 = arith.constant 0 : index
    %get3A_20 = vector.load %arg8[%get3A_18, %get3A_19] : memref<1x34304xf32, #tpu.memory_space<vmem>>, vector<1x34304xf32>
    %add3A_21 = vector.broadcast %get3A_20 : vector<1x34304xf32> to vector<8x34304xf32>
    %add3A_22 = arith.addf %mul3A_17, %add3A_21 : vector<8x34304xf32>
    %get3A_23 = arith.constant 0 : index
    %get3A_24 = arith.constant 0 : index
    %get3A_25 = vector.load %arg2[%get3A_23, %get3A_24] : memref<8x34304xf32, #tpu.memory_space<vmem>>, vector<8x34304xf32>
    %exp3A = math.exp %get3A_25 : vector<8x34304xf32>
    %mul3A_26 = vector.broadcast %get3A_1 : vector<1x34304xf32> to vector<8x34304xf32>
    %mul3A_27 = arith.mulf %exp3A, %mul3A_26 : vector<8x34304xf32>
    %get3A_28 = arith.constant 0 : index
    %get3A_29 = arith.constant 0 : index
    %get3A_30 = vector.load %arg3[%get3A_28, %get3A_29] : memref<8x34304xf32, #tpu.memory_space<vmem>>, vector<8x34304xf32>
    %exp3A_31 = math.exp %get3A_30 : vector<8x34304xf32>
    %mul3A_32 = vector.broadcast %get3A_4 : vector<1x34304xf32> to vector<8x34304xf32>
    %mul3A_33 = arith.mulf %exp3A_31, %mul3A_32 : vector<8x34304xf32>
    %mul3A_34 = arith.constant 5.000000e-01 : f32
    %mul3A_35 = vector.broadcast %mul3A_34 : f32 to vector<8x34304xf32>
    %mul3A_36 = arith.mulf %mul3A_35, %mul3A_27 : vector<8x34304xf32>
    %sub3A = arith.subf %add3A_12, %mul3A_36 : vector<8x34304xf32>
    %mul3A_37 = arith.constant 5.000000e-01 : f32
    %mul3A_38 = vector.broadcast %mul3A_37 : f32 to vector<8x34304xf32>
    %mul3A_39 = arith.mulf %mul3A_38, %mul3A_33 : vector<8x34304xf32>
    %sub3A_40 = arith.subf %add3A_22, %mul3A_39 : vector<8x34304xf32>
    %mul3A_41 = arith.constant 5.000000e-01 : f32
    %mul3A_42 = vector.broadcast %mul3A_41 : f32 to vector<8x34304xf32>
    %mul3A_43 = arith.mulf %mul3A_42, %mul3A_27 : vector<8x34304xf32>
    %add3A_44 = arith.addf %add3A_12, %mul3A_43 : vector<8x34304xf32>
    %mul3A_45 = arith.constant 5.000000e-01 : f32
    %mul3A_46 = vector.broadcast %mul3A_45 : f32 to vector<8x34304xf32>
    %mul3A_47 = arith.mulf %mul3A_46, %mul3A_33 : vector<8x34304xf32>
    %add3A_48 = arith.addf %add3A_22, %mul3A_47 : vector<8x34304xf32>
    %get3A_49 = arith.constant 0 : index
    %get3A_50 = arith.constant 0 : index
    %get3A_51 = vector.load %arg10[%get3A_49, %get3A_50] : memref<8x128xf32, #tpu.memory_space<vmem>>, vector<8x1xf32>
    %get3A_52 = arith.constant 0 : index
    %get3A_53 = arith.constant 1 : index
    %get3A_54 = vector.load %arg10[%get3A_52, %get3A_53] : memref<8x128xf32, #tpu.memory_space<vmem>>, vector<8x1xf32>
    %sub3A_55 = arith.constant 1.000000e+00 : f32
    %sub3A_56 = vector.broadcast %sub3A_55 : f32 to vector<8x1xf32>
    %sub3A_57 = arith.subf %get3A_54, %sub3A_56 : vector<8x1xf32>
    %jit3A = arith.constant 0.000000e+00 : f32
    %max3A = vector.broadcast %jit3A : f32 to vector<8x34304xf32>
    %max3A_58 = arith.maximumf %max3A, %sub3A : vector<8x34304xf32>
    %min3A = vector.broadcast %sub3A_57 : vector<8x1xf32> to vector<8x34304xf32>
    %min3A_59 = arith.minimumf %min3A, %max3A_58 : vector<8x34304xf32>
    %sub3A_60 = arith.constant 1.000000e+00 : f32
    %sub3A_61 = vector.broadcast %sub3A_60 : f32 to vector<8x1xf32>
    %sub3A_62 = arith.subf %get3A_54, %sub3A_61 : vector<8x1xf32>
    %jit3A_63 = arith.constant 0.000000e+00 : f32
    %max3A_64 = vector.broadcast %jit3A_63 : f32 to vector<8x34304xf32>
    %max3A_65 = arith.maximumf %max3A_64, %add3A_44 : vector<8x34304xf32>
    %min3A_66 = vector.broadcast %sub3A_62 : vector<8x1xf32> to vector<8x34304xf32>
    %min3A_67 = arith.minimumf %min3A_66, %max3A_65 : vector<8x34304xf32>
    %sub3A_68 = arith.constant 1.000000e+00 : f32
    %sub3A_69 = vector.broadcast %sub3A_68 : f32 to vector<8x1xf32>
    %sub3A_70 = arith.subf %get3A_51, %sub3A_69 : vector<8x1xf32>
    %jit3A_71 = arith.constant 0.000000e+00 : f32
    %max3A_72 = vector.broadcast %jit3A_71 : f32 to vector<8x34304xf32>
    %max3A_73 = arith.maximumf %max3A_72, %sub3A_40 : vector<8x34304xf32>
    %min3A_74 = vector.broadcast %sub3A_70 : vector<8x1xf32> to vector<8x34304xf32>
    %min3A_75 = arith.minimumf %min3A_74, %max3A_73 : vector<8x34304xf32>
    %sub3A_76 = arith.constant 1.000000e+00 : f32
    %sub3A_77 = vector.broadcast %sub3A_76 : f32 to vector<8x1xf32>
    %sub3A_78 = arith.subf %get3A_51, %sub3A_77 : vector<8x1xf32>
    %jit3A_79 = arith.constant 0.000000e+00 : f32
    %max3A_80 = vector.broadcast %jit3A_79 : f32 to vector<8x34304xf32>
    %max3A_81 = arith.maximumf %max3A_80, %add3A_48 : vector<8x34304xf32>
    %min3A_82 = vector.broadcast %sub3A_78 : vector<8x1xf32> to vector<8x34304xf32>
    %min3A_83 = arith.minimumf %min3A_82, %max3A_81 : vector<8x34304xf32>
    %swap3A = arith.constant 0 : index
    %swap3A_84 = arith.constant 0 : index
    %swap3A_85 = arith.constant 0 : index
    %swap3A_86 = vector.load %arg11[%swap3A, %swap3A_84, %swap3A_85] : memref<8x8x34304xf32, #tpu.memory_space<vmem>>, vector<1x8x34304xf32>
    %swap3A_87 = vector.shape_cast %swap3A_86 : vector<1x8x34304xf32> to vector<8x34304xf32>
    %swap3A_88 = vector.shape_cast %min3A_59 : vector<8x34304xf32> to vector<1x8x34304xf32>
    tpu.vector_store %arg11[%swap3A, %swap3A_84, %swap3A_85], %swap3A_88 {strides = array<i32>} : memref<8x8x34304xf32, #tpu.memory_space<vmem>>, vector<1x8x34304xf32>,
    %swap3A_89 = arith.constant 1 : index
    %swap3A_90 = arith.constant 0 : index
    %swap3A_91 = arith.constant 0 : index
    %swap3A_92 = vector.load %arg11[%swap3A_89, %swap3A_90, %swap3A_91] : memref<8x8x34304xf32, #tpu.memory_space<vmem>>, vector<1x8x34304xf32>
    %swap3A_93 = vector.shape_cast %swap3A_92 : vector<1x8x34304xf32> to vector<8x34304xf32>
    %swap3A_94 = vector.shape_cast %min3A_75 : vector<8x34304xf32> to vector<1x8x34304xf32>
    tpu.vector_store %arg11[%swap3A_89, %swap3A_90, %swap3A_91], %swap3A_94 {strides = array<i32>} : memref<8x8x34304xf32, #tpu.memory_space<vmem>>, vector<1x8x34304xf32>,
    %swap3A_95 = arith.constant 2 : index
    %swap3A_96 = arith.constant 0 : index
    %swap3A_97 = arith.constant 0 : index
    %swap3A_98 = vector.load %arg11[%swap3A_95, %swap3A_96, %swap3A_97] : memref<8x8x34304xf32, #tpu.memory_space<vmem>>, vector<1x8x34304xf32>
    %swap3A_99 = vector.shape_cast %swap3A_98 : vector<1x8x34304xf32> to vector<8x34304xf32>
    %swap3A_100 = vector.shape_cast %min3A_67 : vector<8x34304xf32> to vector<1x8x34304xf32>
    tpu.vector_store %arg11[%swap3A_95, %swap3A_96, %swap3A_97], %swap3A_100 {strides = array<i32>} : memref<8x8x34304xf32, #tpu.memory_space<vmem>>, vector<1x8x34304xf32>,
    %swap3A_101 = arith.constant 3 : index
    %swap3A_102 = arith.constant 0 : index
    %swap3A_103 = arith.constant 0 : index
    %swap3A_104 = vector.load %arg11[%swap3A_101, %swap3A_102, %swap3A_103] : memref<8x8x34304xf32, #tpu.memory_space<vmem>>, vector<1x8x34304xf32>
    %swap3A_105 = vector.shape_cast %swap3A_104 : vector<1x8x34304xf32> to vector<8x34304xf32>
    %swap3A_106 = vector.shape_cast %min3A_83 : vector<8x34304xf32> to vector<1x8x34304xf32>
    tpu.vector_store %arg11[%swap3A_101, %swap3A_102, %swap3A_103], %swap3A_106 {strides = array<i32>} : memref<8x8x34304xf32, #tpu.memory_space<vmem>>, vector<1x8x34304xf32>,
    %sub3A_107 = arith.subf %min3A_67, %min3A_59 : vector<8x34304xf32>
    %add3A_108 = arith.constant 1.000000e+00 : f32
    %add3A_109 = vector.broadcast %add3A_108 : f32 to vector<8x34304xf32>
    %add3A_110 = arith.addf %sub3A_107, %add3A_109 : vector<8x34304xf32>
    %sub3A_111 = arith.subf %min3A_83, %min3A_75 : vector<8x34304xf32>
    %add3A_112 = arith.constant 1.000000e+00 : f32
    %add3A_113 = vector.broadcast %add3A_112 : f32 to vector<8x34304xf32>
    %add3A_114 = arith.addf %sub3A_111, %add3A_113 : vector<8x34304xf32>
    %mul3A_115 = arith.mulf %add3A_110, %add3A_114 : vector<8x34304xf32>
    %swap3A_116 = arith.constant 4 : index
    %swap3A_117 = arith.constant 0 : index
    %swap3A_118 = arith.constant 0 : index
    %swap3A_119 = vector.load %arg11[%swap3A_116, %swap3A_117, %swap3A_118] : memref<8x8x34304xf32, #tpu.memory_space<vmem>>, vector<1x8x34304xf32>
    %swap3A_120 = vector.shape_cast %swap3A_119 : vector<1x8x34304xf32> to vector<8x34304xf32>
    %swap3A_121 = vector.shape_cast %mul3A_115 : vector<8x34304xf32> to vector<1x8x34304xf32>
    tpu.vector_store %arg11[%swap3A_116, %swap3A_117, %swap3A_118], %swap3A_121 {strides = array<i32>} : memref<8x8x34304xf32, #tpu.memory_space<vmem>>, vector<1x8x34304xf32>,
    %get3A_122 = arith.constant 0 : index
    %get3A_123 = arith.constant 0 : index
    %get3A_124 = vector.load %arg4[%get3A_122, %get3A_123] : memref<8x34304xf32, #tpu.memory_space<vmem>>, vector<8x34304xf32>
    %bitcast_convert_type3A = tpu.bitcast %get3A_124 : vector<8x34304xf32> -> vector<8x34304xi32>
    %ge3A = arith.constant 0 : i32
    %ge3A_125 = vector.broadcast %ge3A : i32 to vector<8x34304xi32>
    %ge3A_126 = arith.cmpi sge, %bitcast_convert_type3A, %ge3A_125 : vector<8x34304xi32>
    %sub3A_127 = arith.constant -2147483648 : i32
    %sub3A_128 = vector.broadcast %sub3A_127 : i32 to vector<8x34304xi32>
    %sub3A_129 = arith.subi %sub3A_128, %bitcast_convert_type3A : vector<8x34304xi32>
    %select_n3A = arith.select %ge3A_126, %bitcast_convert_type3A, %sub3A_129 : vector<8x34304xi1>, vector<8x34304xi32>
    %broadcast_in_dim3A = arith.constant -2147483648 : i32
    %broadcast_in_dim3A_130 = vector.broadcast %broadcast_in_dim3A : i32 to vector<8x1xi32>
    %scan3A = arith.constant 0 : i32
    %scan3A_131 = arith.constant 32 : i32
    %scan3A_132 = arith.addi %scan3A, %scan3A_131 : i32
    %scan3A_133 = arith.constant 1 : i32
    %scan3A_134 = scf.for %scan3A_268 = %scan3A to %scan3A_132 step %scan3A_133 iter_args(%scan3A_269 = %broadcast_in_dim3A_130) -> (vector<8x1xi32>)  : i32 {
      %sub3A_270 = arith.constant 31 : i32
      %sub3A_271 = arith.subi %sub3A_270, %scan3A_268 : i32
      %shift_left3A = arith.constant 1 : i32
      %shift_left3A_272 = arith.shli %shift_left3A, %sub3A_271 : i32
      %add3A_273 = vector.broadcast %shift_left3A_272 : i32 to vector<8x1xi32>
      %add3A_274 = arith.addi %scan3A_269, %add3A_273 : vector<8x1xi32>
      %ge3A_275 = vector.broadcast %add3A_274 : vector<8x1xi32> to vector<8x34304xi32>
      %ge3A_276 = arith.cmpi sge, %select_n3A, %ge3A_275 : vector<8x34304xi32>
      %convert_element_type3A_277 = arith.extui %ge3A_276 : vector<8x34304xi1> to vector<8x34304xi32>
      %reduce_sum3A_278 = arith.constant dense<0> : vector<8xi32>
      %reduce_sum3A_279 = vector.multi_reduction <add>, %convert_element_type3A_277, %reduce_sum3A_278 [1] : vector<8x34304xi32> to vector<8xi32>
      %broadcast_in_dim3A_280 = vector.shape_cast %reduce_sum3A_279 : vector<8xi32> to vector<8x1xi32>
      %ge3A_281 = arith.constant 6000 : i32
      %ge3A_282 = vector.broadcast %ge3A_281 : i32 to vector<8x1xi32>
      %ge3A_283 = arith.cmpi sge, %broadcast_in_dim3A_280, %ge3A_282 : vector<8x1xi32>
      %select_n3A_284 = arith.select %ge3A_283, %add3A_274, %scan3A_269 : vector<8x1xi1>, vector<8x1xi32>
      scf.yield %select_n3A_284 : vector<8x1xi32>
    }
    %scan3A_135 = arith.constant 32 : i32
    %gt3A = vector.broadcast %scan3A_134 : vector<8x1xi32> to vector<8x34304xi32>
    %gt3A_136 = arith.cmpi sgt, %select_n3A, %gt3A : vector<8x34304xi32>
    %convert_element_type3A = arith.extui %gt3A_136 : vector<8x34304xi1> to vector<8x34304xi32>
    %reduce_sum3A = arith.constant dense<0> : vector<8xi32>
    %reduce_sum3A_137 = vector.multi_reduction <add>, %convert_element_type3A, %reduce_sum3A [1] : vector<8x34304xi32> to vector<8xi32>
    %broadcast_in_dim3A_138 = vector.shape_cast %reduce_sum3A_137 : vector<8xi32> to vector<8x1xi32>
    %sub3A_139 = arith.constant 6000 : i32
    %sub3A_140 = vector.broadcast %sub3A_139 : i32 to vector<8x1xi32>
    %sub3A_141 = arith.subi %sub3A_140, %broadcast_in_dim3A_138 : vector<8x1xi32>
    %get3A_142 = arith.constant 0 : index
    %get3A_143 = arith.constant 0 : index
    %get3A_144 = vector.load %arg9[%get3A_142, %get3A_143] : memref<1x34304xi32, #tpu.memory_space<vmem>>, vector<1x34304xi32>
    %eq3A = vector.broadcast %scan3A_134 : vector<8x1xi32> to vector<8x34304xi32>
    %eq3A_145 = arith.cmpi eq, %select_n3A, %eq3A : vector<8x34304xi32>
    %broadcast_in_dim3A_146 = arith.constant 0 : i32
    %broadcast_in_dim3A_147 = vector.broadcast %broadcast_in_dim3A_146 : i32 to vector<8x1xi32>
    %scan3A_148 = arith.constant 0 : i32
    %scan3A_149 = arith.constant 17 : i32
    %scan3A_150 = arith.addi %scan3A_148, %scan3A_149 : i32
    %scan3A_151 = arith.constant 1 : i32
    %scan3A_152 = scf.for %scan3A_268 = %scan3A_148 to %scan3A_150 step %scan3A_151 iter_args(%scan3A_269 = %broadcast_in_dim3A_147) -> (vector<8x1xi32>)  : i32 {
      %sub3A_270 = arith.constant 16 : i32
      %sub3A_271 = arith.subi %sub3A_270, %scan3A_268 : i32
      %shift_left3A = arith.constant 1 : i32
      %shift_left3A_272 = arith.shli %shift_left3A, %sub3A_271 : i32
      %add3A_273 = vector.broadcast %shift_left3A_272 : i32 to vector<8x1xi32>
      %add3A_274 = arith.addi %scan3A_269, %add3A_273 : vector<8x1xi32>
      %lt3A = vector.broadcast %get3A_144 : vector<1x34304xi32> to vector<8x34304xi32>
      %lt3A_275 = vector.broadcast %add3A_274 : vector<8x1xi32> to vector<8x34304xi32>
      %lt3A_276 = arith.cmpi slt, %lt3A, %lt3A_275 : vector<8x34304xi32>
      %and3A_277 = arith.andi %eq3A_145, %lt3A_276 : vector<8x34304xi1>
      %convert_element_type3A_278 = arith.extui %and3A_277 : vector<8x34304xi1> to vector<8x34304xi32>
      %reduce_sum3A_279 = arith.constant dense<0> : vector<8xi32>
      %reduce_sum3A_280 = vector.multi_reduction <add>, %convert_element_type3A_278, %reduce_sum3A_279 [1] : vector<8x34304xi32> to vector<8xi32>
      %broadcast_in_dim3A_281 = vector.shape_cast %reduce_sum3A_280 : vector<8xi32> to vector<8x1xi32>
      %lt3A_282 = arith.cmpi slt, %broadcast_in_dim3A_281, %sub3A_141 : vector<8x1xi32>
      %select_n3A_283 = arith.select %lt3A_282, %add3A_274, %scan3A_269 : vector<8x1xi1>, vector<8x1xi32>
      scf.yield %select_n3A_283 : vector<8x1xi32>
    }
    %scan3A_153 = arith.constant 17 : i32
    %gt3A_154 = vector.broadcast %scan3A_134 : vector<8x1xi32> to vector<8x34304xi32>
    %gt3A_155 = arith.cmpi sgt, %select_n3A, %gt3A_154 : vector<8x34304xi32>
    %le3A = vector.broadcast %get3A_144 : vector<1x34304xi32> to vector<8x34304xi32>
    %le3A_156 = vector.broadcast %scan3A_152 : vector<8x1xi32> to vector<8x34304xi32>
    %le3A_157 = arith.cmpi sle, %le3A, %le3A_156 : vector<8x34304xi32>
    %and3A = arith.andi %eq3A_145, %le3A_157 : vector<8x34304xi1>
    %or3A = arith.ori %gt3A_155, %and3A : vector<8x34304xi1>
    %jit3A_158 = arith.constant 0xFF800000 : f32
    %broadcast_in_dim3A_159 = vector.broadcast %jit3A_158 : f32 to vector<8x34304xf32>
    %select_n3A_160 = arith.select %or3A, %get3A_124, %broadcast_in_dim3A_159 : vector<8x34304xi1>, vector<8x34304xf32>
    %swap3A_161 = arith.constant 5 : index
    %swap3A_162 = arith.constant 0 : index
    %swap3A_163 = arith.constant 0 : index
    %swap3A_164 = vector.load %arg11[%swap3A_161, %swap3A_162, %swap3A_163] : memref<8x8x34304xf32, #tpu.memory_space<vmem>>, vector<1x8x34304xf32>
    %swap3A_165 = vector.shape_cast %swap3A_164 : vector<1x8x34304xf32> to vector<8x34304xf32>
    %swap3A_166 = vector.shape_cast %select_n3A_160 : vector<8x34304xf32> to vector<1x8x34304xf32>
    tpu.vector_store %arg11[%swap3A_161, %swap3A_162, %swap3A_163], %swap3A_166 {strides = array<i32>} : memref<8x8x34304xf32, #tpu.memory_space<vmem>>, vector<1x8x34304xf32>,
    %broadcast_in_dim3A_167 = vector.shape_cast %get3A_144 : vector<1x34304xi32> to vector<1x34304xi32>
    %broadcast_in_dim3A_168 = vector.broadcast %broadcast_in_dim3A_167 : vector<1x34304xi32> to vector<8x34304xi32>
    %bitcast_convert_type3A_169 = tpu.bitcast %broadcast_in_dim3A_168 : vector<8x34304xi32> -> vector<8x34304xf32>
    %swap3A_170 = arith.constant 6 : index
    %swap3A_171 = arith.constant 0 : index
    %swap3A_172 = arith.constant 0 : index
    %swap3A_173 = vector.load %arg11[%swap3A_170, %swap3A_171, %swap3A_172] : memref<8x8x34304xf32, #tpu.memory_space<vmem>>, vector<1x8x34304xf32>
    %swap3A_174 = vector.shape_cast %swap3A_173 : vector<1x8x34304xf32> to vector<8x34304xf32>
    %swap3A_175 = vector.shape_cast %bitcast_convert_type3A_169 : vector<8x34304xf32> to vector<1x8x34304xf32>
    tpu.vector_store %arg11[%swap3A_170, %swap3A_171, %swap3A_172], %swap3A_175 {strides = array<i32>} : memref<8x8x34304xf32, #tpu.memory_space<vmem>>, vector<1x8x34304xf32>,
    %swap3A_176 = arith.constant 7 : index
    %swap3A_177 = arith.constant 0 : index
    %swap3A_178 = arith.constant 0 : index
    %swap3A_179 = vector.load %arg11[%swap3A_176, %swap3A_177, %swap3A_178] : memref<8x8x34304xf32, #tpu.memory_space<vmem>>, vector<1x8x34304xf32>
    %swap3A_180 = vector.shape_cast %swap3A_179 : vector<1x8x34304xf32> to vector<8x34304xf32>
    %swap3A_181 = vector.shape_cast %bitcast_convert_type3A_169 : vector<8x34304xf32> to vector<1x8x34304xf32>
    tpu.vector_store %arg11[%swap3A_176, %swap3A_177, %swap3A_178], %swap3A_181 {strides = array<i32>} : memref<8x8x34304xf32, #tpu.memory_space<vmem>>, vector<1x8x34304xf32>,
    %convert_element_type3A_182 = arith.extui %or3A : vector<8x34304xi1> to vector<8x34304xi32>
    %broadcast_in_dim3A_183 = arith.constant 0 : i32
    %broadcast_in_dim3A_184 = vector.broadcast %broadcast_in_dim3A_183 : i32 to vector<8x1xi32>
    %slice3A = vector.extract_strided_slice %convert_element_type3A_182 {offsets = [0, 0], sizes = [8, 34303], strides = [1, 1]} : vector<8x34304xi32> to vector<8x34303xi32>
    %concatenate3A = tpu.concatenate %broadcast_in_dim3A_184, %slice3A in 1 : vector<8x1xi32>, vector<8x34303xi32> -> vector<8x34304xi32>
    %add3A_185 = arith.addi %convert_element_type3A_182, %concatenate3A : vector<8x34304xi32>
    %broadcast_in_dim3A_186 = arith.constant 0 : i32
    %broadcast_in_dim3A_187 = vector.broadcast %broadcast_in_dim3A_186 : i32 to vector<8x2xi32>
    %slice3A_188 = vector.extract_strided_slice %add3A_185 {offsets = [0, 0], sizes = [8, 34302], strides = [1, 1]} : vector<8x34304xi32> to vector<8x34302xi32>
    %concatenate3A_189 = tpu.concatenate %broadcast_in_dim3A_187, %slice3A_188 in 1 : vector<8x2xi32>, vector<8x34302xi32> -> vector<8x34304xi32>
    %add3A_190 = arith.addi %add3A_185, %concatenate3A_189 : vector<8x34304xi32>
    %broadcast_in_dim3A_191 = arith.constant 0 : i32
    %broadcast_in_dim3A_192 = vector.broadcast %broadcast_in_dim3A_191 : i32 to vector<8x4xi32>
    %slice3A_193 = vector.extract_strided_slice %add3A_190 {offsets = [0, 0], sizes = [8, 34300], strides = [1, 1]} : vector<8x34304xi32> to vector<8x34300xi32>
    %concatenate3A_194 = tpu.concatenate %broadcast_in_dim3A_192, %slice3A_193 in 1 : vector<8x4xi32>, vector<8x34300xi32> -> vector<8x34304xi32>
    %add3A_195 = arith.addi %add3A_190, %concatenate3A_194 : vector<8x34304xi32>
    %broadcast_in_dim3A_196 = arith.constant 0 : i32
    %broadcast_in_dim3A_197 = vector.broadcast %broadcast_in_dim3A_196 : i32 to vector<8x8xi32>
    %slice3A_198 = vector.extract_strided_slice %add3A_195 {offsets = [0, 0], sizes = [8, 34296], strides = [1, 1]} : vector<8x34304xi32> to vector<8x34296xi32>
    %concatenate3A_199 = tpu.concatenate %broadcast_in_dim3A_197, %slice3A_198 in 1 : vector<8x8xi32>, vector<8x34296xi32> -> vector<8x34304xi32>
    %add3A_200 = arith.addi %add3A_195, %concatenate3A_199 : vector<8x34304xi32>
    %broadcast_in_dim3A_201 = arith.constant 0 : i32
    %broadcast_in_dim3A_202 = vector.broadcast %broadcast_in_dim3A_201 : i32 to vector<8x16xi32>
    %slice3A_203 = vector.extract_strided_slice %add3A_200 {offsets = [0, 0], sizes = [8, 34288], strides = [1, 1]} : vector<8x34304xi32> to vector<8x34288xi32>
    %concatenate3A_204 = tpu.concatenate %broadcast_in_dim3A_202, %slice3A_203 in 1 : vector<8x16xi32>, vector<8x34288xi32> -> vector<8x34304xi32>
    %add3A_205 = arith.addi %add3A_200, %concatenate3A_204 : vector<8x34304xi32>
    %broadcast_in_dim3A_206 = arith.constant 0 : i32
    %broadcast_in_dim3A_207 = vector.broadcast %broadcast_in_dim3A_206 : i32 to vector<8x32xi32>
    %slice3A_208 = vector.extract_strided_slice %add3A_205 {offsets = [0, 0], sizes = [8, 34272], strides = [1, 1]} : vector<8x34304xi32> to vector<8x34272xi32>
    %concatenate3A_209 = tpu.concatenate %broadcast_in_dim3A_207, %slice3A_208 in 1 : vector<8x32xi32>, vector<8x34272xi32> -> vector<8x34304xi32>
    %add3A_210 = arith.addi %add3A_205, %concatenate3A_209 : vector<8x34304xi32>
    %broadcast_in_dim3A_211 = arith.constant 0 : i32
    %broadcast_in_dim3A_212 = vector.broadcast %broadcast_in_dim3A_211 : i32 to vector<8x64xi32>
    %slice3A_213 = vector.extract_strided_slice %add3A_210 {offsets = [0, 0], sizes = [8, 34240], strides = [1, 1]} : vector<8x34304xi32> to vector<8x34240xi32>
    %concatenate3A_214 = tpu.concatenate %broadcast_in_dim3A_212, %slice3A_213 in 1 : vector<8x64xi32>, vector<8x34240xi32> -> vector<8x34304xi32>
    %add3A_215 = arith.addi %add3A_210, %concatenate3A_214 : vector<8x34304xi32>
    %broadcast_in_dim3A_216 = arith.constant 0 : i32
    %broadcast_in_dim3A_217 = vector.broadcast %broadcast_in_dim3A_216 : i32 to vector<8x128xi32>
    %slice3A_218 = vector.extract_strided_slice %add3A_215 {offsets = [0, 0], sizes = [8, 34176], strides = [1, 1]} : vector<8x34304xi32> to vector<8x34176xi32>
    %concatenate3A_219 = tpu.concatenate %broadcast_in_dim3A_217, %slice3A_218 in 1 : vector<8x128xi32>, vector<8x34176xi32> -> vector<8x34304xi32>
    %add3A_220 = arith.addi %add3A_215, %concatenate3A_219 : vector<8x34304xi32>
    %broadcast_in_dim3A_221 = arith.constant 0 : i32
    %broadcast_in_dim3A_222 = vector.broadcast %broadcast_in_dim3A_221 : i32 to vector<8x256xi32>
    %slice3A_223 = vector.extract_strided_slice %add3A_220 {offsets = [0, 0], sizes = [8, 34048], strides = [1, 1]} : vector<8x34304xi32> to vector<8x34048xi32>
    %concatenate3A_224 = tpu.concatenate %broadcast_in_dim3A_222, %slice3A_223 in 1 : vector<8x256xi32>, vector<8x34048xi32> -> vector<8x34304xi32>
    %add3A_225 = arith.addi %add3A_220, %concatenate3A_224 : vector<8x34304xi32>
    %broadcast_in_dim3A_226 = arith.constant 0 : i32
    %broadcast_in_dim3A_227 = vector.broadcast %broadcast_in_dim3A_226 : i32 to vector<8x512xi32>
    %slice3A_228 = vector.extract_strided_slice %add3A_225 {offsets = [0, 0], sizes = [8, 33792], strides = [1, 1]} : vector<8x34304xi32> to vector<8x33792xi32>
    %concatenate3A_229 = tpu.concatenate %broadcast_in_dim3A_227, %slice3A_228 in 1 : vector<8x512xi32>, vector<8x33792xi32> -> vector<8x34304xi32>
    %add3A_230 = arith.addi %add3A_225, %concatenate3A_229 : vector<8x34304xi32>
    %broadcast_in_dim3A_231 = arith.constant 0 : i32
    %broadcast_in_dim3A_232 = vector.broadcast %broadcast_in_dim3A_231 : i32 to vector<8x1024xi32>
    %slice3A_233 = vector.extract_strided_slice %add3A_230 {offsets = [0, 0], sizes = [8, 33280], strides = [1, 1]} : vector<8x34304xi32> to vector<8x33280xi32>
    %concatenate3A_234 = tpu.concatenate %broadcast_in_dim3A_232, %slice3A_233 in 1 : vector<8x1024xi32>, vector<8x33280xi32> -> vector<8x34304xi32>
    %add3A_235 = arith.addi %add3A_230, %concatenate3A_234 : vector<8x34304xi32>
    %broadcast_in_dim3A_236 = arith.constant 0 : i32
    %broadcast_in_dim3A_237 = vector.broadcast %broadcast_in_dim3A_236 : i32 to vector<8x2048xi32>
    %slice3A_238 = vector.extract_strided_slice %add3A_235 {offsets = [0, 0], sizes = [8, 32256], strides = [1, 1]} : vector<8x34304xi32> to vector<8x32256xi32>
    %concatenate3A_239 = tpu.concatenate %broadcast_in_dim3A_237, %slice3A_238 in 1 : vector<8x2048xi32>, vector<8x32256xi32> -> vector<8x34304xi32>
    %add3A_240 = arith.addi %add3A_235, %concatenate3A_239 : vector<8x34304xi32>
    %broadcast_in_dim3A_241 = arith.constant 0 : i32
    %broadcast_in_dim3A_242 = vector.broadcast %broadcast_in_dim3A_241 : i32 to vector<8x4096xi32>
    %slice3A_243 = vector.extract_strided_slice %add3A_240 {offsets = [0, 0], sizes = [8, 30208], strides = [1, 1]} : vector<8x34304xi32> to vector<8x30208xi32>
    %concatenate3A_244 = tpu.concatenate %broadcast_in_dim3A_242, %slice3A_243 in 1 : vector<8x4096xi32>, vector<8x30208xi32> -> vector<8x34304xi32>
    %add3A_245 = arith.addi %add3A_240, %concatenate3A_244 : vector<8x34304xi32>
    %broadcast_in_dim3A_246 = arith.constant 0 : i32
    %broadcast_in_dim3A_247 = vector.broadcast %broadcast_in_dim3A_246 : i32 to vector<8x8192xi32>
    %slice3A_248 = vector.extract_strided_slice %add3A_245 {offsets = [0, 0], sizes = [8, 26112], strides = [1, 1]} : vector<8x34304xi32> to vector<8x26112xi32>
    %concatenate3A_249 = tpu.concatenate %broadcast_in_dim3A_247, %slice3A_248 in 1 : vector<8x8192xi32>, vector<8x26112xi32> -> vector<8x34304xi32>
    %add3A_250 = arith.addi %add3A_245, %concatenate3A_249 : vector<8x34304xi32>
    %broadcast_in_dim3A_251 = arith.constant 0 : i32
    %broadcast_in_dim3A_252 = vector.broadcast %broadcast_in_dim3A_251 : i32 to vector<8x16384xi32>
    %slice3A_253 = vector.extract_strided_slice %add3A_250 {offsets = [0, 0], sizes = [8, 17920], strides = [1, 1]} : vector<8x34304xi32> to vector<8x17920xi32>
    %concatenate3A_254 = tpu.concatenate %broadcast_in_dim3A_252, %slice3A_253 in 1 : vector<8x16384xi32>, vector<8x17920xi32> -> vector<8x34304xi32>
    %add3A_255 = arith.addi %add3A_250, %concatenate3A_254 : vector<8x34304xi32>
    %broadcast_in_dim3A_256 = arith.constant 0 : i32
    %broadcast_in_dim3A_257 = vector.broadcast %broadcast_in_dim3A_256 : i32 to vector<8x32768xi32>
    %slice3A_258 = vector.extract_strided_slice %add3A_255 {offsets = [0, 0], sizes = [8, 1536], strides = [1, 1]} : vector<8x34304xi32> to vector<8x1536xi32>
    %concatenate3A_259 = tpu.concatenate %broadcast_in_dim3A_257, %slice3A_258 in 1 : vector<8x32768xi32>, vector<8x1536xi32> -> vector<8x34304xi32>
    %add3A_260 = arith.addi %add3A_255, %concatenate3A_259 : vector<8x34304xi32>
    %sub3A_261 = arith.subi %add3A_260, %convert_element_type3A_182 : vector<8x34304xi32>
    %jit3A_262 = arith.constant 6100 : i32
    %broadcast_in_dim3A_263 = vector.broadcast %jit3A_262 : i32 to vector<8x34304xi32>
    %select_n3A_264 = arith.select %or3A, %sub3A_261, %broadcast_in_dim3A_263 : vector<8x34304xi1>, vector<8x34304xi32>
    %swap3A_265 = arith.constant 0 : index
    %swap3A_266 = arith.constant 0 : index
    %swap3A_267 = vector.load %arg12[%swap3A_265, %swap3A_266] : memref<8x34304xi32, #tpu.memory_space<vmem>>, vector<8x34304xi32>
    tpu.vector_store %arg12[%swap3A_265, %swap3A_266], %select_n3A_264 {strides = array<i32>} : memref<8x34304xi32, #tpu.memory_space<vmem>>, vector<8x34304xi32>,
    return
  }
}

module attributes {stable_mosaic.version = 14 : i64} {
  func.func @_stage_b(%arg0: memref<8x8x6144xf32, #tpu.memory_space<vmem>>, %arg1: memref<300x8x128xf32, #tpu.memory_space<vmem>>, %arg2: memref<8x6144xf32, #tpu.memory_space<vmem>>, %arg3: memref<8x6144xi32, #tpu.memory_space<vmem>>) attributes {dimension_semantics = [], scalar_prefetch = 0 : i64, scratch_operands = 2 : i64, tpu.core_type = #tpu.core_type<tc>} {
    %get3A = arith.constant 0 : index
    %get3A_0 = arith.constant 0 : index
    %get3A_1 = arith.constant 0 : index
    %get3A_2 = vector.load %arg0[%get3A, %get3A_0, %get3A_1] : memref<8x8x6144xf32, #tpu.memory_space<vmem>>, vector<1x8x6144xf32>
    %get3A_3 = vector.shape_cast %get3A_2 : vector<1x8x6144xf32> to vector<8x6144xf32>
    %get3A_4 = arith.constant 1 : index
    %get3A_5 = arith.constant 0 : index
    %get3A_6 = arith.constant 0 : index
    %get3A_7 = vector.load %arg0[%get3A_4, %get3A_5, %get3A_6] : memref<8x8x6144xf32, #tpu.memory_space<vmem>>, vector<1x8x6144xf32>
    %get3A_8 = vector.shape_cast %get3A_7 : vector<1x8x6144xf32> to vector<8x6144xf32>
    %get3A_9 = arith.constant 2 : index
    %get3A_10 = arith.constant 0 : index
    %get3A_11 = arith.constant 0 : index
    %get3A_12 = vector.load %arg0[%get3A_9, %get3A_10, %get3A_11] : memref<8x8x6144xf32, #tpu.memory_space<vmem>>, vector<1x8x6144xf32>
    %get3A_13 = vector.shape_cast %get3A_12 : vector<1x8x6144xf32> to vector<8x6144xf32>
    %get3A_14 = arith.constant 3 : index
    %get3A_15 = arith.constant 0 : index
    %get3A_16 = arith.constant 0 : index
    %get3A_17 = vector.load %arg0[%get3A_14, %get3A_15, %get3A_16] : memref<8x8x6144xf32, #tpu.memory_space<vmem>>, vector<1x8x6144xf32>
    %get3A_18 = vector.shape_cast %get3A_17 : vector<1x8x6144xf32> to vector<8x6144xf32>
    %get3A_19 = arith.constant 4 : index
    %get3A_20 = arith.constant 0 : index
    %get3A_21 = arith.constant 0 : index
    %get3A_22 = vector.load %arg0[%get3A_19, %get3A_20, %get3A_21] : memref<8x8x6144xf32, #tpu.memory_space<vmem>>, vector<1x8x6144xf32>
    %get3A_23 = vector.shape_cast %get3A_22 : vector<1x8x6144xf32> to vector<8x6144xf32>
    %iota3A = tpu.iota {dimensions = array<i32: 1>} : vector<8x6144xi32>
    %lt3A = arith.constant 6000 : i32
    %lt3A_24 = vector.broadcast %lt3A : i32 to vector<8x6144xi32>
    %lt3A_25 = arith.cmpi slt, %iota3A, %lt3A_24 : vector<8x6144xi32>
    %get3A_26 = arith.constant 5 : index
    %get3A_27 = arith.constant 0 : index
    %get3A_28 = arith.constant 0 : index
    %get3A_29 = vector.load %arg0[%get3A_26, %get3A_27, %get3A_28] : memref<8x8x6144xf32, #tpu.memory_space<vmem>>, vector<1x8x6144xf32>
    %get3A_30 = vector.shape_cast %get3A_29 : vector<1x8x6144xf32> to vector<8x6144xf32>
    %jit3A = arith.constant 0xFF800000 : f32
    %broadcast_in_dim3A = vector.broadcast %jit3A : f32 to vector<8x6144xf32>
    %select_n3A = arith.select %lt3A_25, %get3A_30, %broadcast_in_dim3A : vector<8x6144xi1>, vector<8x6144xf32>
    %swap3A = arith.constant 0 : index
    %swap3A_31 = arith.constant 0 : index
    %swap3A_32 = vector.load %arg2[%swap3A, %swap3A_31] : memref<8x6144xf32, #tpu.memory_space<vmem>>, vector<8x6144xf32>
    tpu.vector_store %arg2[%swap3A, %swap3A_31], %select_n3A {strides = array<i32>} : memref<8x6144xf32, #tpu.memory_space<vmem>>, vector<8x6144xf32>,
    %get3A_33 = arith.constant 6 : index
    %get3A_34 = arith.constant 0 : index
    %get3A_35 = arith.constant 0 : index
    %get3A_36 = vector.load %arg0[%get3A_33, %get3A_34, %get3A_35] : memref<8x8x6144xf32, #tpu.memory_space<vmem>>, vector<1x8x6144xf32>
    %get3A_37 = vector.shape_cast %get3A_36 : vector<1x8x6144xf32> to vector<8x6144xf32>
    %bitcast_convert_type3A = tpu.bitcast %get3A_37 : vector<8x6144xf32> -> vector<8x6144xi32>
    %jit3A_38 = arith.constant 1000000000 : i32
    %broadcast_in_dim3A_39 = vector.broadcast %jit3A_38 : i32 to vector<8x6144xi32>
    %select_n3A_40 = arith.select %lt3A_25, %bitcast_convert_type3A, %broadcast_in_dim3A_39 : vector<8x6144xi1>, vector<8x6144xi32>
    %swap3A_41 = arith.constant 0 : index
    %swap3A_42 = arith.constant 0 : index
    %swap3A_43 = vector.load %arg3[%swap3A_41, %swap3A_42] : memref<8x6144xi32, #tpu.memory_space<vmem>>, vector<8x6144xi32>
    tpu.vector_store %arg3[%swap3A_41, %swap3A_42], %select_n3A_40 {strides = array<i32>} : memref<8x6144xi32, #tpu.memory_space<vmem>>, vector<8x6144xi32>,
    %iota3A_44 = tpu.iota {dimensions = array<i32: 1>} : vector<8x128xi32>
    %broadcast_in_dim3A_45 = arith.constant 0.000000e+00 : f32
    %broadcast_in_dim3A_46 = vector.broadcast %broadcast_in_dim3A_45 : f32 to vector<8x1xf32>
    %scan3A = arith.constant 0xFF800000 : f32
    %scan3A_47 = arith.constant 0 : i32
    %scan3A_48 = arith.constant 300 : i32
    %scan3A_49 = arith.addi %scan3A_47, %scan3A_48 : i32
    %scan3A_50 = arith.constant 1 : i32
    %scan3A_51:4 = scf.for %scan3A_53 = %scan3A_47 to %scan3A_49 step %scan3A_50 iter_args(%scan3A_54 = %broadcast_in_dim3A_46, %scan3A_55 = %broadcast_in_dim3A_46, %scan3A_56 = %broadcast_in_dim3A_46, %scan3A_57 = %broadcast_in_dim3A_46) -> (vector<8x1xf32>, vector<8x1xf32>, vector<8x1xf32>, vector<8x1xf32>)  : i32 {
      %get3A_58 = arith.constant 0 : index
      %get3A_59 = arith.constant 0 : index
      %get3A_60 = vector.load %arg2[%get3A_58, %get3A_59] : memref<8x6144xf32, #tpu.memory_space<vmem>>, vector<8x6144xf32>
      %get3A_61 = arith.constant 0 : index
      %get3A_62 = arith.constant 0 : index
      %get3A_63 = vector.load %arg3[%get3A_61, %get3A_62] : memref<8x6144xi32, #tpu.memory_space<vmem>>, vector<8x6144xi32>
      %reduce_max3A = arith.constant dense<0xFF800000> : vector<8xf32>
      %reduce_max3A_64 = vector.multi_reduction <maximumf>, %get3A_60, %reduce_max3A [1] : vector<8x6144xf32> to vector<8xf32>
      %broadcast_in_dim3A_65 = vector.shape_cast %reduce_max3A_64 : vector<8xf32> to vector<8x1xf32>
      %eq3A = vector.broadcast %broadcast_in_dim3A_65 : vector<8x1xf32> to vector<8x6144xf32>
      %eq3A_66 = arith.cmpf oeq, %get3A_60, %eq3A : vector<8x6144xf32>
      %jit3A_67 = arith.constant 1000000000 : i32
      %broadcast_in_dim3A_68 = vector.broadcast %jit3A_67 : i32 to vector<8x6144xi32>
      %select_n3A_69 = arith.select %eq3A_66, %get3A_63, %broadcast_in_dim3A_68 : vector<8x6144xi1>, vector<8x6144xi32>
      %reduce_min3A = arith.constant dense<2147483647> : vector<8xi32>
      %reduce_min3A_70 = vector.multi_reduction <minsi>, %select_n3A_69, %reduce_min3A [1] : vector<8x6144xi32> to vector<8xi32>
      %broadcast_in_dim3A_71 = vector.shape_cast %reduce_min3A_70 : vector<8xi32> to vector<8x1xi32>
      %eq3A_72 = vector.broadcast %broadcast_in_dim3A_71 : vector<8x1xi32> to vector<8x6144xi32>
      %eq3A_73 = arith.cmpi eq, %get3A_63, %eq3A_72 : vector<8x6144xi32>
      %jit3A_74 = arith.constant 0.000000e+00 : f32
      %broadcast_in_dim3A_75 = vector.broadcast %jit3A_74 : f32 to vector<8x6144xf32>
      %select_n3A_76 = arith.select %eq3A_73, %get3A_3, %broadcast_in_dim3A_75 : vector<8x6144xi1>, vector<8x6144xf32>
      %reduce_sum3A = arith.constant dense<0.000000e+00> : vector<8xf32>
      %reduce_sum3A_77 = vector.multi_reduction <add>, %select_n3A_76, %reduce_sum3A [1] : vector<8x6144xf32> to vector<8xf32>
      %broadcast_in_dim3A_78 = vector.shape_cast %reduce_sum3A_77 : vector<8xf32> to vector<8x1xf32>
      %jit3A_79 = arith.constant 0.000000e+00 : f32
      %broadcast_in_dim3A_80 = vector.broadcast %jit3A_79 : f32 to vector<8x6144xf32>
      %select_n3A_81 = arith.select %eq3A_73, %get3A_8, %broadcast_in_dim3A_80 : vector<8x6144xi1>, vector<8x6144xf32>
      %reduce_sum3A_82 = arith.constant dense<0.000000e+00> : vector<8xf32>
      %reduce_sum3A_83 = vector.multi_reduction <add>, %select_n3A_81, %reduce_sum3A_82 [1] : vector<8x6144xf32> to vector<8xf32>
      %broadcast_in_dim3A_84 = vector.shape_cast %reduce_sum3A_83 : vector<8xf32> to vector<8x1xf32>
      %jit3A_85 = arith.constant 0.000000e+00 : f32
      %broadcast_in_dim3A_86 = vector.broadcast %jit3A_85 : f32 to vector<8x6144xf32>
      %select_n3A_87 = arith.select %eq3A_73, %get3A_13, %broadcast_in_dim3A_86 : vector<8x6144xi1>, vector<8x6144xf32>
      %reduce_sum3A_88 = arith.constant dense<0.000000e+00> : vector<8xf32>
      %reduce_sum3A_89 = vector.multi_reduction <add>, %select_n3A_87, %reduce_sum3A_88 [1] : vector<8x6144xf32> to vector<8xf32>
      %broadcast_in_dim3A_90 = vector.shape_cast %reduce_sum3A_89 : vector<8xf32> to vector<8x1xf32>
      %jit3A_91 = arith.constant 0.000000e+00 : f32
      %broadcast_in_dim3A_92 = vector.broadcast %jit3A_91 : f32 to vector<8x6144xf32>
      %select_n3A_93 = arith.select %eq3A_73, %get3A_18, %broadcast_in_dim3A_92 : vector<8x6144xi1>, vector<8x6144xf32>
      %reduce_sum3A_94 = arith.constant dense<0.000000e+00> : vector<8xf32>
      %reduce_sum3A_95 = vector.multi_reduction <add>, %select_n3A_93, %reduce_sum3A_94 [1] : vector<8x6144xf32> to vector<8xf32>
      %broadcast_in_dim3A_96 = vector.shape_cast %reduce_sum3A_95 : vector<8xf32> to vector<8x1xf32>
      %sub3A = arith.subf %broadcast_in_dim3A_90, %broadcast_in_dim3A_78 : vector<8x1xf32>
      %add3A = arith.constant 1.000000e+00 : f32
      %add3A_97 = vector.broadcast %add3A : f32 to vector<8x1xf32>
      %add3A_98 = arith.addf %sub3A, %add3A_97 : vector<8x1xf32>
      %sub3A_99 = arith.subf %broadcast_in_dim3A_96, %broadcast_in_dim3A_84 : vector<8x1xf32>
      %add3A_100 = arith.constant 1.000000e+00 : f32
      %add3A_101 = vector.broadcast %add3A_100 : f32 to vector<8x1xf32>
      %add3A_102 = arith.addf %sub3A_99, %add3A_101 : vector<8x1xf32>
      %mul3A = arith.mulf %add3A_98, %add3A_102 : vector<8x1xf32>
      %gt3A = vector.broadcast %scan3A : f32 to vector<8x1xf32>
      %gt3A_103 = arith.cmpf ogt, %broadcast_in_dim3A_65, %gt3A : vector<8x1xf32>
      %select_n3A_104 = arith.select %gt3A_103, %broadcast_in_dim3A_78, %scan3A_54 : vector<8x1xi1>, vector<8x1xf32>
      %select_n3A_105 = arith.select %gt3A_103, %broadcast_in_dim3A_84, %scan3A_55 : vector<8x1xi1>, vector<8x1xf32>
      %select_n3A_106 = arith.select %gt3A_103, %broadcast_in_dim3A_90, %scan3A_56 : vector<8x1xi1>, vector<8x1xf32>
      %select_n3A_107 = arith.select %gt3A_103, %broadcast_in_dim3A_96, %scan3A_57 : vector<8x1xi1>, vector<8x1xf32>
      %eq3A_108 = arith.constant 0 : i32
      %eq3A_109 = arith.cmpi eq, %scan3A_53, %eq3A_108 : i32
      %select_n3A_110 = arith.select %eq3A_109, %broadcast_in_dim3A_78, %scan3A_54 : vector<8x1xf32>
      %select_n3A_111 = arith.select %eq3A_109, %broadcast_in_dim3A_84, %scan3A_55 : vector<8x1xf32>
      %select_n3A_112 = arith.select %eq3A_109, %broadcast_in_dim3A_90, %scan3A_56 : vector<8x1xf32>
      %select_n3A_113 = arith.select %eq3A_109, %broadcast_in_dim3A_96, %scan3A_57 : vector<8x1xf32>
      %max3A = vector.broadcast %broadcast_in_dim3A_78 : vector<8x1xf32> to vector<8x6144xf32>
      %max3A_114 = arith.maximumf %max3A, %get3A_3 : vector<8x6144xf32>
      %max3A_115 = vector.broadcast %broadcast_in_dim3A_84 : vector<8x1xf32> to vector<8x6144xf32>
      %max3A_116 = arith.maximumf %max3A_115, %get3A_8 : vector<8x6144xf32>
      %min3A = vector.broadcast %broadcast_in_dim3A_90 : vector<8x1xf32> to vector<8x6144xf32>
      %min3A_117 = arith.minimumf %min3A, %get3A_13 : vector<8x6144xf32>
      %min3A_118 = vector.broadcast %broadcast_in_dim3A_96 : vector<8x1xf32> to vector<8x6144xf32>
      %min3A_119 = arith.minimumf %min3A_118, %get3A_18 : vector<8x6144xf32>
      %sub3A_120 = arith.subf %min3A_117, %max3A_114 : vector<8x6144xf32>
      %add3A_121 = arith.constant 1.000000e+00 : f32
      %add3A_122 = vector.broadcast %add3A_121 : f32 to vector<8x6144xf32>
      %add3A_123 = arith.addf %sub3A_120, %add3A_122 : vector<8x6144xf32>
      %max3A_124 = arith.constant 0.000000e+00 : f32
      %max3A_125 = vector.broadcast %max3A_124 : f32 to vector<8x6144xf32>
      %max3A_126 = arith.maximumf %max3A_125, %add3A_123 : vector<8x6144xf32>
      %sub3A_127 = arith.subf %min3A_119, %max3A_116 : vector<8x6144xf32>
      %add3A_128 = arith.constant 1.000000e+00 : f32
      %add3A_129 = vector.broadcast %add3A_128 : f32 to vector<8x6144xf32>
      %add3A_130 = arith.addf %sub3A_127, %add3A_129 : vector<8x6144xf32>
      %max3A_131 = arith.constant 0.000000e+00 : f32
      %max3A_132 = vector.broadcast %max3A_131 : f32 to vector<8x6144xf32>
      %max3A_133 = arith.maximumf %max3A_132, %add3A_130 : vector<8x6144xf32>
      %mul3A_134 = arith.mulf %max3A_126, %max3A_133 : vector<8x6144xf32>
      %add3A_135 = vector.broadcast %mul3A : vector<8x1xf32> to vector<8x6144xf32>
      %add3A_136 = arith.addf %add3A_135, %get3A_23 : vector<8x6144xf32>
      %sub3A_137 = arith.subf %add3A_136, %mul3A_134 : vector<8x6144xf32>
      %div3A = arith.divf %mul3A_134, %sub3A_137 : vector<8x6144xf32>
      %gt3A_138 = arith.constant 0.699999988 : f32
      %gt3A_139 = vector.broadcast %gt3A_138 : f32 to vector<8x6144xf32>
      %gt3A_140 = arith.cmpf ogt, %div3A, %gt3A_139 : vector<8x6144xf32>
      %broadcast_in_dim3A_141 = vector.broadcast %scan3A : f32 to vector<8x6144xf32>
      %select_n3A_142 = arith.select %gt3A_140, %broadcast_in_dim3A_141, %get3A_60 : vector<8x6144xi1>, vector<8x6144xf32>
      %swap3A_143 = arith.constant 0 : index
      %swap3A_144 = arith.constant 0 : index
      %swap3A_145 = vector.load %arg2[%swap3A_143, %swap3A_144] : memref<8x6144xf32, #tpu.memory_space<vmem>>, vector<8x6144xf32>
      tpu.vector_store %arg2[%swap3A_143, %swap3A_144], %select_n3A_142 {strides = array<i32>} : memref<8x6144xf32, #tpu.memory_space<vmem>>, vector<8x6144xf32>,
      %eq3A_146 = arith.constant 0 : i32
      %eq3A_147 = vector.broadcast %eq3A_146 : i32 to vector<8x128xi32>
      %eq3A_148 = arith.cmpi eq, %iota3A_44, %eq3A_147 : vector<8x128xi32>
      %eq3A_149 = arith.constant 1 : i32
      %eq3A_150 = vector.broadcast %eq3A_149 : i32 to vector<8x128xi32>
      %eq3A_151 = arith.cmpi eq, %iota3A_44, %eq3A_150 : vector<8x128xi32>
      %eq3A_152 = arith.constant 2 : i32
      %eq3A_153 = vector.broadcast %eq3A_152 : i32 to vector<8x128xi32>
      %eq3A_154 = arith.cmpi eq, %iota3A_44, %eq3A_153 : vector<8x128xi32>
      %eq3A_155 = arith.constant 3 : i32
      %eq3A_156 = vector.broadcast %eq3A_155 : i32 to vector<8x128xi32>
      %eq3A_157 = arith.cmpi eq, %iota3A_44, %eq3A_156 : vector<8x128xi32>
      %jit3A_158 = arith.constant 0.000000e+00 : f32
      %broadcast_in_dim3A_159 = vector.shape_cast %select_n3A_107 : vector<8x1xf32> to vector<8x1xf32>
      %broadcast_in_dim3A_160 = vector.broadcast %broadcast_in_dim3A_159 : vector<8x1xf32> to vector<8x128xf32>
      %broadcast_in_dim3A_161 = vector.broadcast %jit3A_158 : f32 to vector<8x128xf32>
      %select_n3A_162 = arith.select %eq3A_157, %broadcast_in_dim3A_160, %broadcast_in_dim3A_161 : vector<8x128xi1>, vector<8x128xf32>
      %broadcast_in_dim3A_163 = vector.shape_cast %select_n3A_106 : vector<8x1xf32> to vector<8x1xf32>
      %broadcast_in_dim3A_164 = vector.broadcast %broadcast_in_dim3A_163 : vector<8x1xf32> to vector<8x128xf32>
      %select_n3A_165 = arith.select %eq3A_154, %broadcast_in_dim3A_164, %select_n3A_162 : vector<8x128xi1>, vector<8x128xf32>
      %broadcast_in_dim3A_166 = vector.shape_cast %select_n3A_105 : vector<8x1xf32> to vector<8x1xf32>
      %broadcast_in_dim3A_167 = vector.broadcast %broadcast_in_dim3A_166 : vector<8x1xf32> to vector<8x128xf32>
      %select_n3A_168 = arith.select %eq3A_151, %broadcast_in_dim3A_167, %select_n3A_165 : vector<8x128xi1>, vector<8x128xf32>
      %broadcast_in_dim3A_169 = vector.shape_cast %select_n3A_104 : vector<8x1xf32> to vector<8x1xf32>
      %broadcast_in_dim3A_170 = vector.broadcast %broadcast_in_dim3A_169 : vector<8x1xf32> to vector<8x128xf32>
      %select_n3A_171 = arith.select %eq3A_148, %broadcast_in_dim3A_170, %select_n3A_168 : vector<8x128xi1>, vector<8x128xf32>
      %swap3A_172 = arith.index_cast %scan3A_53 : i32 to index
      %swap3A_173 = arith.constant 0 : index
      %swap3A_174 = arith.constant 0 : index
      %swap3A_175 = vector.load %arg1[%swap3A_172, %swap3A_173, %swap3A_174] : memref<300x8x128xf32, #tpu.memory_space<vmem>>, vector<1x8x128xf32>
      %swap3A_176 = vector.shape_cast %swap3A_175 : vector<1x8x128xf32> to vector<8x128xf32>
      %swap3A_177 = vector.shape_cast %select_n3A_171 : vector<8x128xf32> to vector<1x8x128xf32>
      tpu.vector_store %arg1[%swap3A_172, %swap3A_173, %swap3A_174], %swap3A_177 {strides = array<i32>} : memref<300x8x128xf32, #tpu.memory_space<vmem>>, vector<1x8x128xf32>,
      scf.yield %select_n3A_110, %select_n3A_111, %select_n3A_112, %select_n3A_113 : vector<8x1xf32>, vector<8x1xf32>, vector<8x1xf32>, vector<8x1xf32>
    }
    %scan3A_52 = arith.constant 300 : i32
    return
  }
}

</mosaic_0001>

<sc_bundles>
// kernel: kernel.5.cloned.1.call-start
scs
__scs_entry_jumppad:
0x0: {  	(pc) =	sbr.rel $0x88, $3  }
0x1: {  	(tag) =	ssettag $0x0;
	lr =	simm.s32 $0x1  }
0x2: {  	[smem:$0x3F9E] =	sst lr;
	_ =	strace $0xD0000000  }
0x3: {  	_ = 	snop  }
0x4: {  	_ = 	snop  }
0x5: {  	_ = 	snop  }
0x6: {  	_ = 	snop  }
0x7: {  	_ = 	snop  }
__scs_overlays_trampoline_lowered:
0x8: {  	[smem:$0x3FAD] =	sst s0  }
0x9: {  	[smem:$0x3FAE] =	sst s1  }
0xa: {  	[smem:$0x3FAF] =	sst s2  }
0xb: {  	[smem:$0x3FB0] =	sst s3  }
0xc: {  	[smem:$0x3FB1] =	sst s4  }
0xd: {  	[smem:$0x3FB2] =	sst s5  }
0xe: {  	[smem:$0x3FB3] =	sst s6  }
0xf: {  	[smem:$0x3FB4] =	sst s7  }
0x10: {  	[smem:$0x3FB5] =	sst s8  }
0x11: {  	[smem:$0x3FB6] =	sst s9;
	s0 =	simm.s32 @!p0 $0x0  }
0x12: {  	s1 =	sld [smem:$0x3F9C];
	s0 =	simm.s32 @p0 $0x1  }
0x13: {  	[smem:$0x3FB7] =	sst s0;
	s0 =	simm.s32 @!p1 $0x0  }
0x14: {  	s2 =	sld [smem:$0x3F9B];
	s0 =	simm.s32 @p1 $0x1  }
0x15: {  	[smem:$0x3FB8] =	sst s0;
	s0 =	simm.s32 @!p2 $0x0  }
0x16: {  	s3 =	sld [smem:$0x3FDB];
	s0 =	simm.s32 @p2 $0x1  }
0x17: {  	s4 =	simm.s32 $0x1BF5;
	[smem:$0x3FBA] =	sst s0  }
0x18: {  	s0 =	sld [smem:$0x3F9D];
	_ =	swait.ge [sflag:s4], $0x0  }
0x19: {  	s7 =	sld [smem:$0x3F9E]  }
0x1a: {  	s8 =	sadd.s32 $0xFFFFE003, lr  }
0x1b: {  	s9 =	sadd.s32 $0xFFFFFEF7, lr;
	s5 =	simm.s32 $0xFFFFFFFF;
	p2 =	slt.u32 s8, $0xFFFFF086  }
0x1c: {  	p1 =	slt.u32 s9, $0xF7A;
	s5 =	simm.s32 @!p2 $0x0  }
0x1d: {  	s5 =	simm.s32 @p1 $0x1;
	p0 =	seq.s32 s7, s2  }
0x1e: {  	s7 =	smul.u32 @!p0 $0xF7A, s2;
	p2 =	seq.s32 @!p0 s5, $0x0  }
0x1f: {  	s9 =	smul.u32 $0xF7A, s1;
	s8 =	simm.s32 @!p0 $0x1BF5;
	p2 =	por !p2, p0  }
0x20: {  	[sflag:s8] =	ssyncset.s32 @!p0 $0xFFFFF086;
	s6 =	sadd.s32 @!p0 s3, s7;
	s7 =	simm.s32 @!p0 $0x108  }
0x21: {  	s3 =	sadd.s32 s3, s9;
	s6 =	sadd.s32 @!p0 $0x88, s6;
	s7 =	simm.s32 @p2 $0x1082  }
0x22: {  	[simem:s7], [sflag:s8] =	dma.local @!p0 [hbm:s6], $0xF7A  }
0x23: {  	s9 =	sor.u32 $0xD0000000, s2;
	s6 =	simm.s32 $0x108;
	_ =	swait.ge @!p0 [sflag:s8], $0x0  }
0x24: {  	s3 =	sadd.s32 $0x88, s3;
	s6 =	simm.s32 @!p1 $0x1082;
	[sflag:s4] =	ssyncset.s32 $0xFFFFF086  }
0x25: {  	[simem:s6], [sflag:s4] =	dma.local [hbm:s3], $0xF7A  }
0x26: {  	[smem:$0x3F9E] =	sst s1;
	(tag) =	ssettag s2;
	_ =	strace s9  }
0x27: {  	s1 =	sld [smem:$0x3FAE]  }
0x28: {  	s2 =	sld [smem:$0x3FAF]  }
0x29: {  	s4 =	sld [smem:$0x3FB1]  }
0x2a: {  	p0 =	seq.s32 s5, $0x0;
	s5 =	sld [smem:$0x3FB2]  }
0x2b: {  	s6 =	sld [smem:$0x3FB3]  }
0x2c: {  	s7 =	sld [smem:$0x3FB4]  }
0x2d: {  	s3 =	simm.s32 $0x108;
	s8 =	sld [smem:$0x3FB5]  }
0x2e: {  	s3 =	simm.s32 @!p0 $0x1082;
	s9 =	sld [smem:$0x3FB6]  }
0x2f: {  	lr =	sadd.s32 s0, s3;
	s0 =	sld [smem:$0x3FAD]  }
0x30: {  	s3 =	sld [smem:$0x3FB0]  }
0x31: {  	[smem:$0x3FB9] =	sst s10  }
0x32: {  	s10 =	sld [smem:$0x3FB7];
	_ =	sdelay $0x3  }
0x33: {  	p0 =	seq.s32 s10, $0x1;
	s10 =	sld [smem:$0x3FB9];
	_ =	sdelay $0x3  }
0x34: {  	[smem:$0x3FB9] =	sst s10  }
0x35: {  	s10 =	sld [smem:$0x3FB8];
	_ =	sdelay $0x3  }
0x36: {  	p1 =	seq.s32 s10, $0x1;
	s10 =	sld [smem:$0x3FB9];
	_ =	sdelay $0x3  }
0x37: {  	[smem:$0x3FB9] =	sst s10  }
0x38: {  	s10 =	sld [smem:$0x3FBA]  }
0x39: {  	_ = 	snop;
	(pc) =	sbr.ind lr, $3  }
0x3a: {  	_ = 	snop  }
0x3b: {  	_ = 	snop  }
0x3c: {  	p2 =	seq.s32 s10, $0x1;
	s10 =	sld [smem:$0x3FB9]  }
0x3d: {  	_ =	shalt  }
0x3e: {  	_ =	shalt  }
0x3f: {  	_ =	shalt  }
0x40: {  	_ =	shalt  }
0x41: {  	_ =	shalt  }
0x42: {  	_ =	shalt  }
0x43: {  	_ =	shalt  }
0x44: {  	_ =	shalt  }
0x45: {  	_ =	shalt  }
0x46: {  	_ =	shalt  }
0x47: {  	_ =	shalt  }
0x48: {  	_ =	shalt  }
0x49: {  	_ =	shalt  }
0x4a: {  	_ =	shalt  }
0x4b: {  	_ =	shalt  }
0x4c: {  	_ =	shalt  }
0x4d: {  	_ =	shalt  }
0x4e: {  	_ =	shalt  }
0x4f: {  	_ =	shalt  }
0x50: {  	_ =	shalt  }
0x51: {  	_ =	shalt  }
0x52: {  	_ =	shalt  }
0x53: {  	_ =	shalt  }
0x54: {  	_ =	shalt  }
0x55: {  	_ =	shalt  }
0x56: {  	_ =	shalt  }
0x57: {  	_ =	shalt  }
0x58: {  	_ =	shalt  }
0x59: {  	_ =	shalt  }
0x5a: {  	_ =	shalt  }
0x5b: {  	_ =	shalt  }
0x5c: {  	_ =	shalt  }
0x5d: {  	_ =	shalt  }
0x5e: {  	_ =	shalt  }
0x5f: {  	_ =	shalt  }
0x60: {  	_ =	shalt  }
0x61: {  	_ =	shalt  }
0x62: {  	_ =	shalt  }
0x63: {  	_ =	shalt  }
0x64: {  	_ =	shalt  }
0x65: {  	_ =	shalt  }
0x66: {  	_ =	shalt  }
0x67: {  	_ =	shalt  }
0x68: {  	_ =	shalt  }
0x69: {  	_ =	shalt  }
0x6a: {  	_ =	shalt  }
0x6b: {  	_ =	shalt  }
0x6c: {  	_ =	shalt  }
0x6d: {  	_ =	shalt  }
0x6e: {  	_ =	shalt  }
0x6f: {  	_ =	shalt  }
0x70: {  	_ =	shalt  }
0x71: {  	_ =	shalt  }
0x72: {  	_ =	shalt  }
0x73: {  	_ =	shalt  }
0x74: {  	_ =	shalt  }
0x75: {  	_ =	shalt  }
0x76: {  	_ =	shalt  }
0x77: {  	_ =	shalt  }
0x78: {  	_ =	shalt  }
0x79: {  	_ =	shalt  }
0x7a: {  	_ =	shalt  }
0x7b: {  	_ =	shalt  }
0x7c: {  	_ =	shalt  }
0x7d: {  	_ =	shalt  }
0x7e: {  	_ =	shalt  }
0x7f: {  	_ =	shalt  }
0x80: {  	_ =	shalt  }
0x81: {  	_ =	shalt  }
0x82: {  	_ =	shalt  }
0x83: {  	_ =	shalt  }
0x84: {  	_ =	shalt  }
0x85: {  	_ =	shalt  }
0x86: {  	_ =	shalt  }
0x87: {  	_ =	shalt  }
.Lfunc_end0:
.L_simem_size_0:
called_computation_lowered:
.L_overlay_start_0:
0x88: {  	s2 =	sld [smem:$0x3FD9]  }
0x89: {  	s3 =	sld [smem:$0x3FFE];
	_ =	sdelay $0x1  }
0x8a: {  	s1 =	srdreg.scid  }
0x8b: {  	s0 =	sand.u32 $0x1, s1  }
0x8c: {  	s16 =	sshll.u32 s0, $0xA;
	s2 =	sadd.s32 s3, s2  }
0x8d: {  	s2 =	sadd.s32 s2, s16  }
0x8e: {  	[smem:$0x3FC5] =	sst s2  }
0x8f: {  	_ = 	snop  }
0x90: {  	(tm) =	ssettm $0x1  }
0x91: {  	s17 =	sld [smem:$0x3FFB];
	_ =	sdelay $0x3  }
0x92: {  	_ =	strace s17  }
0x93: {  	s2 =	sld [smem:$0x3FFC];
	_ =	sdelay $0x3  }
0x94: {  	_ =	strace s2  }
0x95: {  	s2 =	sld [smem:$0x3FFD];
	_ =	sdelay $0x3  }
0x96: {  	_ =	strace s2  }
0x97: {  	_ =	strace $0x8FFFFFFF  }
0x98: {  	s18 =	sld [smem:$0x3FDB];
	_ =	sdelay $0x1  }
0x99: {  	s19 =	simm.s32 $_scs_section_size  }
0x9a: {  	s4 =	simm.s32 $_size__tile_overlayer_lowered;
	s5 =	simm.s32 $_tile_overlayer_lowered  }
0x9b: {  	s22 =	simm.s32 $0x1BFF;
	s21 =	sshll.u32 s5, $0x1;
	s2 =	sadd.s32 s19, s18  }
0x9c: {  	s6 =	simm.s32 $0x0;
	s20 =	sshll.u32 s4, $0x1;
	s4 =	sadd.s32 s21, s2  }
0x9d: {  	[timem:s6], [sflag:s22] =	dma.local [hbm:s4], s20  }
0x9e: {  	_ =	swait.ge [sflag:s22], s20  }
0x9f: {  	s3 =	ssub.s32 $0x0, s20;
	[sflag:s22] =	ssyncset.done $0x0  }
0xa0: {  	[sflag:s22] =	ssyncadd.s32 s3;
	_ =	sdelay $0x1  }
0xa1: {  	s23 =	simm.s32 $0x1B8B  }
0xa2: {  	_ =	swait.ge [sflag:s23], $0x1  }
0xa3: {  	[sflag:s23] =	ssyncset.done $0x0  }
0xa4: {  	s25 =	simm.s32 $0x1B8E;
	s24 =	sld [smem:$0x3FFE];
	[sflag:s23] =	ssyncadd.s32 $0xFFFFFFFF  }
0xa5: {  	s26 =	simm.s32 $execute0_lowered;
	[smem:$0x3FD2] =	sst s25  }
0xa6: {  	s4 =	sshll.u32 s26, $0x1;
	_ =	strace $0x80000046;
	[dreg:$0x1] =	wrdreg $0xFFFFFFFF  }
0xa7: {  	s28 =	simm.s32 $_size_execute0_lowered;
	s2 =	sadd.s32 s2, s4;
	[dreg:$0x0] =	wrdreg $0x0  }
0xa8: {  	s4 =	sshll.u32 s28, $0x1;
	[dreg:$0x2] =	wrdreg s2  }
0xa9: {  	[dreg:$0x3] =	wrdreg s4  }
0xaa: {  	[dreg:$0x4] =	wrdreg $0xC0  }
0xab: {  	_ =	task [dreg:s6], $0x5FFFF  }
0xac: {  	[dreg:$0x1] =	wrdreg $0xFFFFFFFF  }
0xad: {  	[dreg:$0x0] =	wrdreg $0x60  }
0xae: {  	[dreg:$0x2] =	wrdreg s24  }
0xaf: {  	[dreg:$0x3] =	wrdreg $0x9  }
0xb0: {  	_ =	task.clear_ibuf [dreg:s6], $0x4FFFF;
	_ =	strace $0x90000046  }
0xb1: {  	s29 =	simm.s32 $0x9;
	_ =	strace $0x80000048  }
0xb2: {  	_ =	swait.ge [sflag:s29], $0x1  }
0xb3: {  	[sflag:s29] =	ssyncadd.s32 $0xFFFFFFFF  }
0xb4: {  	_ =	strace $0x90000048  }
0xb5: {  	_ =	sfence  }
0xb6: {  	s30 =	sld [smem:$0x0];
	_ =	sdelay $0x2  }
0xb7: {  	s31 =	sshll.u32 s1, $0xD;
	s1 =	sshrl.u32 s1, $0x2  }
0xb8: {  	s3 =	sand.u32 $0x4000, s31;
	s1 =	sadd.s32 s1, s30  }
0xb9: {  	s0 =	sor.u32 s3, s0;
	s1 =	sshll.u32 s1, $0x11  }
0xba: {  	s0 =	sor.u32 s1, s0  }
0xbb: {  	s0 =	sadd.s32 $0x8F2B, s0  }
0xbc: {  	[sflag:s0] =	ssyncadd.remote.s32 $0x1  }
0xbd: {  	_ =	sfence.sel $0xFFFF  }
0xbe: {  	[dreg:$0x0] =	wrdreg $0xFFFFFFFF;
	(pc) =	sbr.abs _section_cstart, $3  }
0xbf: {  	[dreg:$0x1] =	wrdreg $0xFFFFFFFF  }
0xc0: {  	_ =	task.clear_ibuf [dreg:s6], $0x2FFFF;
	_ =	strace $0x9FFFFFFF  }
0xc1: {  	(tm) =	ssettm $0x7FFFFFFF  }
tec
execute0_lowered:
.L_overlay_start_1:
0x0: {  	(tag) =	ssettag $0x1  }
0x1: {  	s3 =	rddreg [dreg:$0x0]  }
0x2: {  	s0 =	rddreg [dreg:$0x1]  }
0x3: {  	s2 =	simm.s32 $0x0;
	s1 =	stileid.u32;
	s4 =	srdreg.scid  }
0x4: {  	s13 =	simm.s32 $0x10C00;
	s14 =	simm.s32 $0x19200;
	s15 =	simm.s32 $0x1AA00  }
0x5: {  	s16 =	simm.s32 $0x0;
	[smem:$0x7FF] =	sst s2;
	s5 =	sshll.u32 s1, $0x1  }
0x6: {  	s6 =	sshll.u32 s1, $0x6;
	s4 =	sand.u32 $0x1, s4;
	s5 =	sand.u32 $0x2, s5  }
0x7: {  	s7 =	sadd.s32 $0x1E00, s3;
	s11 =	sadd.s32 $0x4D400, s3;
	s5 =	sor.u32 s4, s5  }
0x8: {  	_ =	strace $0x80000047;
	s6 =	sand.u32 $0x380, s6;
	s10 =	smul.u32 $0x86000, s5  }
0x9: {  	s26 =	ssub.s32 $0x2, s4;
	s9 =	sshllo.u32 s5, $0x1;
	s5 =	smul.u32 $0x18000, s5  }
0xa: {  	s8 =	sshrl.u32 s6, $0x3;
	s29 =	sshrl.u32 s26, $0x1;
	s12 =	smul.u32 $0x43000, s9  }
0xb: {  	s8 =	sadd.s32 s8, s3;
	s9 =	smul.u32 $0xC000, s9;
	s28 =	sor.u32 s6, s10  }
0xc: {  	s10 =	ssub.s32 s26, s29;
	s5 =	sor.u32 s6, s5;
	s4 =	sshrl.u32 s28, $0x3  }
0xd: {  	s30 =	sor.u32 s6, s12;
	s6 =	sor.u32 s6, s9;
	s31 =	sshrl.u32 s5, $0x3  }
0xe: {  	s5 =	sadd.s32 $0x44E00, s8;
	s8 =	smax.u32 s10, $0x1;
	s10 =	simm.s32 $0x400  }
0xf: {  	s12 =	simm.s32 $0x8600;
	s3 =	sadd.s32 s7, s4;
	s4 =	sshrl.u32 s30, $0x3  }
0x10: {  	s9 =	sshrl.u32 s6, $0x3;
	s6 =	sadd.s32 s11, s31;
	s4 =	sadd.s32 s7, s4  }
0x11: {  	s7 =	sadd.s32 s11, s9;
	s9 =	simm.s32 $0x80;
	s11 =	simm.s32 $0x1  }
.LBB2_1:
0x12: {  	[tilespmem:s2], [sflag:$0x1] =	stream.strided.gather [hbm4b:s3+s9], $0x8600, s10, s9, $0x38;
	[tilespmem:$0x1C200] =	vst v63  }
0x13: {  	_ =	swait.ge [sflag:s11], $0x8600  }
0x14: {  	[sflag:s11] =	ssyncset.done $0x0  }
0x15: {  	[sflag:s11] =	ssyncadd.s32 $0xFFFF7A00  }
0x16: {  	[tilespmem:s12], [sflag:$0x1] =	stream.strided.gather [hbm4b:s4+s9], $0x8600, s10, s9, $0x38;
	[tilespmem:$0x1C200] =	vst v63  }
0x17: {  	_ =	swait.ge [sflag:s11], $0x8600  }
0x18: {  	[sflag:s11] =	ssyncset.done $0x0  }
0x19: {  	[sflag:s11] =	ssyncadd.s32 $0xFFFF7A00  }
0x1a: {  	[tilespmem:s13], [sflag:$0x1] =	stream.strided.gather [hbm4b:s5+s9], $0x8600, s10, s9, $0x38;
	[tilespmem:$0x1C200] =	vst v63  }
0x1b: {  	_ =	swait.ge [sflag:s11], $0x8600  }
0x1c: {  	[sflag:s11] =	ssyncset.done $0x0  }
0x1d: {  	s19 =	simm.s32 $0x0;
	[sflag:s11] =	ssyncadd.s32 $0xFFFF7A00  }
0x1e: {  	v0 =	vld [tilespmem:s19+$0x10C00];
	_ =	sdelay $0x2  }
0x1f: {  	v1 =	vld [tilespmem:s19+$0x0];
	_ =	sdelay $0x4  }
0x20: {  	[tilespmem:v0+s14+$0x0] =	vst.idx.msk $0xffff, v1  }
0x21: {  	s17 =	simm.s32 $0x40;
	s18 =	simm.s32 $0x80;
	v1 =	vld [tilespmem:s19+$0x8600]  }
.LBB2_2:
0x22: {  	_ =	sdelay $0x2  }
0x23: {  	p0 =	sne.s32 s18, $0x217C0  }
0x24: {  	s19 =	sshra.s32 s17, $0x2;
	s17 =	smov.u32 s18;
	s18 =	sadd.s32 $0x40, s18;
	[tilespmem:v0+s15+$0x0] =	vst.idx.msk $0xffff, v1  }
0x25: {  	v0 =	vld [tilespmem:s19+$0x10C00];
	_ =	sdelay $0x2  }
0x26: {  	v1 =	vld [tilespmem:s19+$0x0];
	_ =	sdelay $0x1  }
.Ltmp0:
0x27: {  	(pc) =	sbr.rel @p0 .LBB2_2-.Ltmp0, $3  }
0x28: {  	_ =	sdelay $0x1  }
0x29: {  	[tilespmem:v0+s14+$0x0] =	vst.idx.msk $0xffff, v1  }
0x2a: {  	v1 =	vld [tilespmem:s19+$0x8600]  }
0x2b: {  	_ =	sdelay $0x3  }
0x2c: {  	s17 =	sshra.s32 s17, $0x2;
	[tilespmem:v0+s15+$0x0] =	vst.idx.msk $0xffff, v1  }
0x2d: {  	v0 =	vld [tilespmem:s17+$0x10C00];
	_ =	sdelay $0x2  }
0x2e: {  	v1 =	vld [tilespmem:s17+$0x0];
	_ =	sdelay $0x4  }
0x2f: {  	[tilespmem:v0+s14+$0x0] =	vst.idx.msk $0xffff, v1  }
0x30: {  	v1 =	vld [tilespmem:s17+$0x8600];
	_ =	sdelay $0x4  }
0x31: {  	[tilespmem:v0+s15+$0x0] =	vst.idx.msk $0xffff, v1  }
0x32: {  	[hbm4b:s6+s9] =	stream.strided.scatter [tilespmem:s14], [sflag:$0x1], $0x1800, s10, s9, $0x38;
	[tilespmem:$0x1C200] =	vst v63  }
0x33: {  	s16 =	sadd.s32 $0x1, s16;
	_ =	swait.ge [sflag:s11], $0x1800  }
0x34: {  	p0 =	sne.s32 s16, s8;
	[sflag:s11] =	ssyncset.done $0x0  }
.Ltmp1:
0x35: {  	[sflag:s11] =	ssyncadd.s32 $0xFFFFE800;
	(pc) =	sbr.rel @p0 .LBB2_1-.Ltmp1, $4  }
0x36: {  	[hbm4b:s7+s9] =	stream.strided.scatter [tilespmem:s15], [sflag:$0x1], $0x1800, s10, s9, $0x38;
	[tilespmem:$0x1C200] =	vst v63  }
0x37: {  	_ =	swait.ge [sflag:s11], $0x1800  }
0x38: {  	[sflag:s11] =	ssyncset.done $0x0  }
0x39: {  	[sflag:s11] =	ssyncadd.s32 $0xFFFFE800  }
0x3a: {  	_ =	sfence.sel $0x180000  }
0x3b: {  	[bflag:$0x0] =	sbarrier.arrive $0xFFFF  }
0x3c: {  	p0 =	sne.s32 s1, $0x0;
	_ =	strace $0x90000047  }
0x3d: {  	s0 =	sadd.s32 @!p0 $0x100000, s0;
	[bflag:$0x2] =	sbarrier.arrive $0xFFFF  }
0x3e: {  	[sflag:s0] =	ssyncadd.tile.s32 @!p0 $0x1;
	_ =	shalt  }
.Lfunc_end2:
_tile_overlayer_lowered:
.L_overlay_start_2:
0x3f: {  	(tag) =	ssettag $0x2  }
0x40: {  	s0 =	rddreg [dreg:$0x0];
	s2 =	stileid.u32  }
0x41: {  	s1 =	rddreg [dreg:$0x1];
	p0 =	sne.s32 s2, $0x0  }
0x42: {  	s3 =	rddreg [dreg:$0x2];
	[bflag:$0x3] =	sbarrier.arrive $0xFFFF;
	s2 =	simm.s32 @!p0 $0x1C01  }
0x43: {  	[timem:s3], [sflag:s2] =	dma.local @!p0 [hbm:s0], s1  }
0x44: {  	s0 =	simm.s32 @!p0 $0x1  }
0x45: {  	_ =	swait.ge @!p0 [sflag:s0], s1  }
0x46: {  	s1 =	ssub.s32 @!p0 $0x0, s1;
	[sflag:s0] =	ssyncset.done @!p0 $0x0  }
0x47: {  	[sflag:s0] =	ssyncadd.s32 @!p0 s1  }
0x48: {  	[bflag:$0x3] =	sbarrier.arrive $0xFFFF  }
0x49: {  	_ =	shalt  }

</sc_bundles>
